<compile_context>
chip_gen: v7x
topology: tpu7x:2x2x1
jax: 0.10.2.dev20260603
libtpu: 0.0.44.dev20260713+nightly
codegen_flags: <defaults>
</compile_context>

<pallas_src>
import functools

import jax
import jax.numpy as jnp
from jax import lax
from jax.experimental import pallas as pl
from jax.experimental.pallas import tpu as pltpu
from jax.experimental.pallas import tpu_sc as plsc

_B, _L, _DIM, _ZDIM, _K = 8, 1024, 96, 32, 8192
_N = _B * _L
_TILE = 256
_GRID = _N // _TILE
_CH = 128
_SEC = 512
_BETA = 0.25


def _tc_body(x_ref, w_ref, b_ref, emb_ref, idx_ref, acc_ref,
             embm2_scr, z_scr, zsum_scr):
    i = pl.program_id(0)

    @pl.when(i == 0)
    def _():
        embm2_scr[...] = emb_ref[...] * jnp.float32(-2.0)
        xall = x_ref[...].reshape(_N, _DIM)
        zz = lax.dot_general(xall, w_ref[...], (((1,), (1,)), ((), ())),
                             preferred_element_type=jnp.float32)
        zz = zz + b_ref[...]
        z_scr[...] = zz
        zsum_scr[...] = jnp.sum(zz * zz, axis=1, keepdims=True)
        acc_ref[...] = jnp.zeros_like(acc_ref)

    z = z_scr[pl.ds(i * _TILE, _TILE), :]
    zsum = zsum_scr[pl.ds(i * _TILE, _TILE), :]

    run_val = None
    for j in range(_K // _SEC):
        dsec = lax.dot_general(z, embm2_scr[pl.ds(j * _SEC, _SEC), :],
                               (((1,), (1,)), ((), ())),
                               preferred_element_type=jnp.float32)
        for c in range(_SEC // _CH):
            d = zsum + dsec[:, c * _CH:(c + 1) * _CH]
            g = j * (_SEC // _CH) + c
            if run_val is None:
                run_val = d
                run_chk = jnp.zeros((_TILE, _CH), jnp.float32)
            else:
                better = d < run_val
                run_val = jnp.where(better, d, run_val)
                run_chk = jnp.where(better, jnp.float32(g), run_chk)
    m = jnp.min(run_val, axis=1, keepdims=True)
    lanes = lax.broadcasted_iota(jnp.int32, (1, _CH), 1).astype(jnp.float32)
    kf = run_chk * jnp.float32(_CH) + lanes
    idxf = jnp.min(jnp.where(run_val == m, kf, jnp.float32(2.0 * _K)),
                   axis=1, keepdims=True)
    idx_ref[...] = idxf.astype(jnp.int32).T.reshape(1, 1, _TILE)
    acc_ref[...] += jnp.sum(m)


_tc_call = pl.pallas_call(
    _tc_body,
    grid=(_GRID,),
    in_specs=[
        pl.BlockSpec((_B, _L, _DIM), lambda i: (0, 0, 0)),
        pl.BlockSpec((_ZDIM, _DIM), lambda i: (0, 0)),
        pl.BlockSpec((1, _ZDIM), lambda i: (0, 0)),
        pl.BlockSpec((_K, _ZDIM), lambda i: (0, 0)),
    ],
    out_specs=[
        pl.BlockSpec((1, 1, _TILE), lambda i: (i, 0, 0)),
        pl.BlockSpec((1, 1), lambda i: (0, 0)),
    ],
    out_shape=[
        jax.ShapeDtypeStruct((_GRID, 1, _TILE), jnp.int32),
        jax.ShapeDtypeStruct((1, 1), jnp.float32),
    ],
    scratch_shapes=[pltpu.VMEM((_K, _ZDIM), jnp.float32),
                    pltpu.VMEM((_N, _ZDIM), jnp.float32),
                    pltpu.VMEM((_N, 1), jnp.float32)],
)


@functools.cache
def _make_sc_gather():
    nc, ns = 2, 16
    nw = nc * ns
    per_w = _N // nw
    mesh = plsc.VectorSubcoreMesh(core_axis_name="c", subcore_axis_name="s",
                                  num_cores=nc, num_subcores=ns)

    @functools.partial(
        pl.kernel,
        mesh=mesh,
        compiler_params=pltpu.CompilerParams(use_tc_tiling_on_sc=False),
        out_type=jax.ShapeDtypeStruct((_N, _ZDIM), jnp.float32),
        scratch_types=[
            pltpu.VMEM((per_w,), jnp.int32),
            pltpu.VMEM((per_w, _ZDIM), jnp.float32),
            pltpu.SemaphoreType.DMA,
        ],
    )
    def gather(emb_hbm, idx_hbm, out_hbm, idx_v, rows_v, sem):
        wid = lax.axis_index("s") * nc + lax.axis_index("c")
        base = wid * per_w
        pltpu.sync_copy(idx_hbm.at[pl.ds(base, per_w)], idx_v)
        pltpu.async_copy(emb_hbm.at[idx_v], rows_v, sem).wait()
        pltpu.sync_copy(rows_v, out_hbm.at[pl.ds(base, per_w)])

    return gather


def kernel(x, W, b, emb):
    x3 = x.astype(jnp.float32)
    b2 = b.reshape(1, _ZDIM)
    idx3, acc = _tc_call(x3, W, b2, emb)
    idx_flat = idx3.reshape(_N)
    quant = _make_sc_gather()(emb, idx_flat)
    loss = acc[0, 0] * ((1.0 + _BETA) / (_N * _ZDIM))
    return (quant.reshape(_B, _L, _ZDIM), idx_flat.reshape(_B, _L), loss)

# --- scband reference (transcript-rebuilt; emitter-appended) ---
"""Pipeline reference for scband-vq-46110768890166 (READ-ONLY COPY).

The authoritative reference and input builder live on the scoring server;
editing this copy changes nothing except your own understanding.
"""

import jax, jax.numpy as jnp
import numpy as np

B, L, DIM, ZDIM, K = 8, 1024, 96, 32, 8192
BETA = 0.25
TEMP = 1.0

def setup_inputs(seed: int = 0) -> dict:
    key = jax.random.key(seed)
    k1, k2, k3 = jax.random.split(key, 3)
    x = jax.random.normal(k1, (B, L, DIM), dtype=jnp.float32)
    # proj_in: kaiming_uniform init, init_weight=1 -> sqrt(3/fan_in)*(rand*2-1)
    W = (np.sqrt(3.0 / DIM) * (jax.random.uniform(k2, (ZDIM, DIM), dtype=jnp.float32) * 2.0 - 1.0))
    # init_bias=0 -> bias parameter initialized to zeros
    b = jnp.zeros((ZDIM,), dtype=jnp.float32)
    # embedding.weight.data.uniform_(-1/K, 1/K)
    emb = jax.random.uniform(k3, (K, ZDIM), dtype=jnp.float32, minval=-1.0 / K, maxval=1.0 / K)
    return {"x": x, "W": W, "b": b, "emb": emb}

def reference(x, W, b, emb):
    x = x.astype(jnp.float32)
    z = x @ W.T + b
    # use_norm=False branch
    dist = (jnp.sum(z ** 2, axis=-1, keepdims=True)
            + jnp.sum(emb ** 2, axis=1)
            - 2.0 * jnp.einsum('bld,nd->bln', z, emb))
    indices = jnp.argmin(dist, axis=-1)
    ste_prob = jax.nn.softmax(-dist / TEMP, axis=-1)
    one_hot_ng = jax.nn.one_hot(indices, K, dtype=z.dtype)
    one_hot = ste_prob + jax.lax.stop_gradient(one_hot_ng - ste_prob)  # computed as in torch (unused downstream)
    quant = jnp.take(emb, indices, axis=0)
    loss = (BETA * jnp.mean((jax.lax.stop_gradient(quant) - z) ** 2)
            + jnp.mean((quant - jax.lax.stop_gradient(z)) ** 2))
    quant = z + jax.lax.stop_gradient(quant - z)
    return (quant, indices, loss)

if __name__ == "__main__":
    import jax
    _d = setup_inputs()
    print(jax.jit(kernel)(*tuple(_d.values())))

</pallas_src>

<mosaic_0001>
#map = affine_map<(d0, d1) -> (0, 0)>
#map1 = affine_map<(d0, d1) -> (0)>
module attributes {stable_mosaic.version = 14 : i64} {
  func.func @gather(%arg0: i32, %arg1: i32, %arg2: memref<8192x32xf32, #tpu.memory_space<hbm>>, %arg3: memref<8192xi32, #tpu.memory_space<hbm>>, %arg4: memref<8192x32xf32, #tpu.memory_space<hbm>>, %arg5: memref<256xi32, #tpu.memory_space<vmem>>, %arg6: memref<256x32xf32, #tpu.memory_space<vmem>>, %arg7: memref<!tpu.dma_semaphore, #tpu.memory_space<semaphore_mem>>) attributes {dimension_semantics = [#tpu.dimension_semantics<core_parallel>, #tpu.dimension_semantics<subcore_parallel>], iteration_bounds = array<i64: 2, 16>, scalar_prefetch = 0 : i64, scratch_operands = 3 : i64, tpu.core_type = #tpu.core_type<sc_vector_subcore>, window_params = [{transform_indices = #map}, {transform_indices = #map1}, {transform_indices = #map}]} {
    %mul3A = arith.constant 2 : i32
    %mul3A_0 = arith.muli %arg1, %mul3A : i32
    %add3A = arith.addi %mul3A_0, %arg0 : i32
    %mul3A_1 = arith.constant 256 : i32
    %mul3A_2 = arith.muli %add3A, %mul3A_1 : i32
    "tpu.region"() ({
      %run_scoped3A = tpu.sem_alloc : memref<!tpu.dma_semaphore, #tpu.memory_space<semaphore_mem>>
      %dma_start3A_7 = tpu.memref_slice %arg3[%mul3A_2] : memref<8192xi32, #tpu.memory_space<hbm>> -> memref<256xi32, #tpu.memory_space<hbm>>
      %dma_start3A_8 = tpu.memref_slice %arg3[%mul3A_2] : memref<8192xi32, #tpu.memory_space<hbm>> -> memref<256xi32, #tpu.memory_space<hbm>>
      tpu.enqueue_dma source(%dma_start3A_8 : memref<256xi32, #tpu.memory_space<hbm>>) target(%arg5 : memref<256xi32, #tpu.memory_space<vmem>>) target_semaphore(%run_scoped3A : memref<!tpu.dma_semaphore, #tpu.memory_space<semaphore_mem>>)
      %dma_wait3A_9 = tpu.memref_slice %arg3[%mul3A_2] : memref<8192xi32, #tpu.memory_space<hbm>> -> memref<256xi32, #tpu.memory_space<hbm>>
      %dma_wait3A_10 = tpu.memref_slice %arg3[%mul3A_2] : memref<8192xi32, #tpu.memory_space<hbm>> -> memref<256xi32, #tpu.memory_space<hbm>>
      tpu.wait_dma2 semaphore(%run_scoped3A : memref<!tpu.dma_semaphore, #tpu.memory_space<semaphore_mem>>) src(%dma_wait3A_10 : memref<256xi32, #tpu.memory_space<hbm>>) dst(%arg5 : memref<256xi32, #tpu.memory_space<vmem>>)
      tpu.yield
    }) : () -> ()
    %dma_start3A = arith.constant 0 : i32
    %dma_start3A_3 = arith.constant 0 : i32
    %dma_start3A_4 = tpu.memref_slice %arg2[%dma_start3A, %dma_start3A_3] : memref<8192x32xf32, #tpu.memory_space<hbm>> -> memref<8192x32xf32, #tpu.memory_space<hbm>>
    tpu.enqueue_indirect_dma source(%dma_start3A_4 : memref<8192x32xf32, #tpu.memory_space<hbm>>) target(%arg6 : memref<256x32xf32, #tpu.memory_space<vmem>>) offsets(%arg5 : memref<256xi32, #tpu.memory_space<vmem>>) semaphore(%arg7 : memref<!tpu.dma_semaphore, #tpu.memory_space<semaphore_mem>>)
    %dma_wait3A = arith.constant 0 : i32
    %dma_wait3A_5 = arith.constant 0 : i32
    %dma_wait3A_6 = tpu.memref_slice %arg2[%dma_wait3A, %dma_wait3A_5] : memref<8192x32xf32, #tpu.memory_space<hbm>> -> memref<8192x32xf32, #tpu.memory_space<hbm>>
    tpu.wait_indirect_dma semaphore(%arg7 : memref<!tpu.dma_semaphore, #tpu.memory_space<semaphore_mem>>) src(%dma_wait3A_6 : memref<8192x32xf32, #tpu.memory_space<hbm>>) dst(%arg6 : memref<256x32xf32, #tpu.memory_space<vmem>>)
    "tpu.region"() ({
      %run_scoped3A = tpu.sem_alloc : memref<!tpu.dma_semaphore, #tpu.memory_space<semaphore_mem>>
      %dma_start3A_7 = arith.constant 0 : i32
      %dma_start3A_8 = tpu.memref_slice %arg4[%mul3A_2, %dma_start3A_7] : memref<8192x32xf32, #tpu.memory_space<hbm>> -> memref<256x32xf32, #tpu.memory_space<hbm>>
      %dma_start3A_9 = arith.constant 0 : i32
      %dma_start3A_10 = tpu.memref_slice %arg4[%mul3A_2, %dma_start3A_9] : memref<8192x32xf32, #tpu.memory_space<hbm>> -> memref<256x32xf32, #tpu.memory_space<hbm>>
      tpu.enqueue_dma source(%arg6 : memref<256x32xf32, #tpu.memory_space<vmem>>) target(%dma_start3A_10 : memref<256x32xf32, #tpu.memory_space<hbm>>) target_semaphore(%run_scoped3A : memref<!tpu.dma_semaphore, #tpu.memory_space<semaphore_mem>>)
      %dma_wait3A_11 = arith.constant 0 : i32
      %dma_wait3A_12 = tpu.memref_slice %arg4[%mul3A_2, %dma_wait3A_11] : memref<8192x32xf32, #tpu.memory_space<hbm>> -> memref<256x32xf32, #tpu.memory_space<hbm>>
      %dma_wait3A_13 = arith.constant 0 : i32
      %dma_wait3A_14 = tpu.memref_slice %arg4[%mul3A_2, %dma_wait3A_13] : memref<8192x32xf32, #tpu.memory_space<hbm>> -> memref<256x32xf32, #tpu.memory_space<hbm>>
      tpu.wait_dma2 semaphore(%run_scoped3A : memref<!tpu.dma_semaphore, #tpu.memory_space<semaphore_mem>>) src(%arg6 : memref<256x32xf32, #tpu.memory_space<vmem>>) dst(%dma_wait3A_14 : memref<256x32xf32, #tpu.memory_space<hbm>>)
      tpu.yield
    }) : () -> ()
    return
  }
}

module attributes {stable_mosaic.version = 14 : i64} {
  func.func @_tc_body(%arg0: i32, %arg1: memref<8x1024x96xf32, #tpu.memory_space<vmem>>, %arg2: memref<32x96xf32, #tpu.memory_space<vmem>>, %arg3: memref<1x32xf32, #tpu.memory_space<vmem>>, %arg4: memref<8192x32xf32, #tpu.memory_space<vmem>>, %arg5: memref<1x1x256xi32, #tpu.memory_space<vmem>>, %arg6: memref<1x1xf32, #tpu.memory_space<vmem>>, %arg7: memref<8192x32xf32, #tpu.memory_space<vmem>>, %arg8: memref<8192x32xf32, #tpu.memory_space<vmem>>, %arg9: memref<8192x1xf32, #tpu.memory_space<vmem>>) attributes {dimension_semantics = [#tpu.dimension_semantics<arbitrary>], iteration_bounds = array<i64: 32>, scalar_prefetch = 0 : i64, scratch_operands = 3 : i64, tpu.core_type = #tpu.core_type<tc>, window_params = [{pipeline_mode = #tpu.pipeline_mode<synchronous>, transform_indices = @transform_0, window_bounds = array<i64: 8, 1024, 96>}, {pipeline_mode = #tpu.pipeline_mode<synchronous>, transform_indices = @transform_1, window_bounds = array<i64: 32, 96>}, {pipeline_mode = #tpu.pipeline_mode<synchronous>, transform_indices = @transform_2, window_bounds = array<i64: 1, 32>}, {pipeline_mode = #tpu.pipeline_mode<synchronous>, transform_indices = @transform_3, window_bounds = array<i64: 8192, 32>}, {transform_indices = @transform_4, window_bounds = array<i64: 1, 1, 256>}, {pipeline_mode = #tpu.pipeline_mode<synchronous>, transform_indices = @transform_5, window_bounds = array<i64: 1, 1>}]} {
    %eq3A = arith.constant 0 : i32
    %eq3A_0 = arith.cmpi eq, %arg0, %eq3A : i32
    %convert_element_type3A = arith.extui %eq3A_0 : i1 to i32
    %cond3A = arith.constant 0 : i32
    %cond3A_1 = arith.cmpi ne, %convert_element_type3A, %cond3A : i32
    scf.if %cond3A_1 {
      %get3A_624 = arith.constant 0 : index
      %get3A_625 = arith.constant 0 : index
      %get3A_626 = vector.load %arg4[%get3A_624, %get3A_625] : memref<8192x32xf32, #tpu.memory_space<vmem>>, vector<8192x32xf32>
      %mul3A_627 = arith.constant -2.000000e+00 : f32
      %mul3A_628 = vector.broadcast %mul3A_627 : f32 to vector<8192x32xf32>
      %mul3A_629 = arith.mulf %get3A_626, %mul3A_628 : vector<8192x32xf32>
      %swap3A_630 = arith.constant 0 : index
      %swap3A_631 = arith.constant 0 : index
      %swap3A_632 = vector.load %arg7[%swap3A_630, %swap3A_631] : memref<8192x32xf32, #tpu.memory_space<vmem>>, vector<8192x32xf32>
      tpu.vector_store %arg7[%swap3A_630, %swap3A_631], %mul3A_629 {strides = array<i32>} : memref<8192x32xf32, #tpu.memory_space<vmem>>, vector<8192x32xf32>,
      %get3A_633 = arith.constant 0 : index
      %get3A_634 = arith.constant 0 : index
      %get3A_635 = arith.constant 0 : index
      %get3A_636 = vector.load %arg1[%get3A_633, %get3A_634, %get3A_635] : memref<8x1024x96xf32, #tpu.memory_space<vmem>>, vector<8x1024x96xf32>
      %reshape3A_637 = vector.shape_cast %get3A_636 : vector<8x1024x96xf32> to vector<8192x96xf32>
      %get3A_638 = arith.constant 0 : index
      %get3A_639 = arith.constant 0 : index
      %get3A_640 = vector.load %arg2[%get3A_638, %get3A_639] : memref<32x96xf32, #tpu.memory_space<vmem>>, vector<32x96xf32>
      %dot_general3A_641 = arith.constant dense<0.000000e+00> : vector<8192x32xf32>
      %dot_general3A_642 = tpu.matmul %reshape3A_637, %get3A_640, %dot_general3A_641 {dimension_numbers = #tpu.dot_dimension_numbers<[1], [1], [0], [0], [0, 0, 1, 0], [], []>, transpose_lhs_hint = false} : vector<8192x96xf32>, vector<32x96xf32>, vector<8192x32xf32> -> vector<8192x32xf32>
      %get3A_643 = arith.constant 0 : index
      %get3A_644 = arith.constant 0 : index
      %get3A_645 = vector.load %arg3[%get3A_643, %get3A_644] : memref<1x32xf32, #tpu.memory_space<vmem>>, vector<1x32xf32>
      %add3A_646 = vector.broadcast %get3A_645 : vector<1x32xf32> to vector<8192x32xf32>
      %add3A_647 = arith.addf %dot_general3A_642, %add3A_646 : vector<8192x32xf32>
      %swap3A_648 = arith.constant 0 : index
      %swap3A_649 = arith.constant 0 : index
      %swap3A_650 = vector.load %arg8[%swap3A_648, %swap3A_649] : memref<8192x32xf32, #tpu.memory_space<vmem>>, vector<8192x32xf32>
      tpu.vector_store %arg8[%swap3A_648, %swap3A_649], %add3A_647 {strides = array<i32>} : memref<8192x32xf32, #tpu.memory_space<vmem>>, vector<8192x32xf32>,
      %mul3A_651 = arith.mulf %add3A_647, %add3A_647 : vector<8192x32xf32>
      %reduce_sum3A_652 = arith.constant dense<0.000000e+00> : vector<8192xf32>
      %reduce_sum3A_653 = vector.multi_reduction <add>, %mul3A_651, %reduce_sum3A_652 [1] : vector<8192x32xf32> to vector<8192xf32>
      %broadcast_in_dim3A_654 = vector.shape_cast %reduce_sum3A_653 : vector<8192xf32> to vector<8192x1xf32>
      %swap3A_655 = arith.constant 0 : index
      %swap3A_656 = arith.constant 0 : index
      %swap3A_657 = vector.load %arg9[%swap3A_655, %swap3A_656] : memref<8192x1xf32, #tpu.memory_space<vmem>>, vector<8192x1xf32>
      tpu.vector_store %arg9[%swap3A_655, %swap3A_656], %broadcast_in_dim3A_654 {strides = array<i32>} : memref<8192x1xf32, #tpu.memory_space<vmem>>, vector<8192x1xf32>,
      %broadcast_in_dim3A_658 = arith.constant 0.000000e+00 : f32
      %broadcast_in_dim3A_659 = vector.broadcast %broadcast_in_dim3A_658 : f32 to vector<1x1xf32>
      %swap3A_660 = arith.constant 0 : index
      %swap3A_661 = arith.constant 0 : index
      %swap3A_662 = vector.load %arg6[%swap3A_660, %swap3A_661] : memref<1x1xf32, #tpu.memory_space<vmem>>, vector<1x1xf32>
      tpu.vector_store %arg6[%swap3A_660, %swap3A_661], %broadcast_in_dim3A_659 {strides = array<i32>} : memref<1x1xf32, #tpu.memory_space<vmem>>, vector<1x1xf32>,
    } else {
    }
    %mul3A = arith.constant 256 : i32
    %mul3A_2 = arith.muli %arg0, %mul3A : i32
    %get3A = arith.index_cast %mul3A_2 : i32 to index
    %get3A_3 = arith.constant 0 : index
    %get3A_4 = vector.load %arg8[%get3A, %get3A_3] : memref<8192x32xf32, #tpu.memory_space<vmem>>, vector<256x32xf32>
    %mul3A_5 = arith.constant 256 : i32
    %mul3A_6 = arith.muli %arg0, %mul3A_5 : i32
    %get3A_7 = arith.index_cast %mul3A_6 : i32 to index
    %get3A_8 = arith.constant 0 : index
    %get3A_9 = vector.load %arg9[%get3A_7, %get3A_8] : memref<8192x1xf32, #tpu.memory_space<vmem>>, vector<256x1xf32>
    %get3A_10 = arith.constant 0 : index
    %get3A_11 = arith.constant 0 : index
    %get3A_12 = vector.load %arg7[%get3A_10, %get3A_11] : memref<8192x32xf32, #tpu.memory_space<vmem>>, vector<512x32xf32>
    %dot_general3A = arith.constant dense<0.000000e+00> : vector<256x512xf32>
    %dot_general3A_13 = tpu.matmul %get3A_4, %get3A_12, %dot_general3A {dimension_numbers = #tpu.dot_dimension_numbers<[1], [1], [0], [0], [0, 0, 1, 0], [], []>, transpose_lhs_hint = false} : vector<256x32xf32>, vector<512x32xf32>, vector<256x512xf32> -> vector<256x512xf32>
    %slice3A = vector.extract_strided_slice %dot_general3A_13 {offsets = [0, 0], sizes = [256, 128], strides = [1, 1]} : vector<256x512xf32> to vector<256x128xf32>
    %add3A = vector.broadcast %get3A_9 : vector<256x1xf32> to vector<256x128xf32>
    %add3A_14 = arith.addf %add3A, %slice3A : vector<256x128xf32>
    %broadcast_in_dim3A = arith.constant 0.000000e+00 : f32
    %broadcast_in_dim3A_15 = vector.broadcast %broadcast_in_dim3A : f32 to vector<256x128xf32>
    %slice3A_16 = vector.extract_strided_slice %dot_general3A_13 {offsets = [0, 128], sizes = [256, 128], strides = [1, 1]} : vector<256x512xf32> to vector<256x128xf32>
    %add3A_17 = vector.broadcast %get3A_9 : vector<256x1xf32> to vector<256x128xf32>
    %add3A_18 = arith.addf %add3A_17, %slice3A_16 : vector<256x128xf32>
    %lt3A = arith.cmpf olt, %add3A_18, %add3A_14 : vector<256x128xf32>
    %select_n3A = arith.select %lt3A, %add3A_18, %add3A_14 : vector<256x128xi1>, vector<256x128xf32>
    %jit3A = arith.constant 1.000000e+00 : f32
    %broadcast_in_dim3A_19 = vector.broadcast %jit3A : f32 to vector<256x128xf32>
    %select_n3A_20 = arith.select %lt3A, %broadcast_in_dim3A_19, %broadcast_in_dim3A_15 : vector<256x128xi1>, vector<256x128xf32>
    %slice3A_21 = vector.extract_strided_slice %dot_general3A_13 {offsets = [0, 256], sizes = [256, 128], strides = [1, 1]} : vector<256x512xf32> to vector<256x128xf32>
    %add3A_22 = vector.broadcast %get3A_9 : vector<256x1xf32> to vector<256x128xf32>
    %add3A_23 = arith.addf %add3A_22, %slice3A_21 : vector<256x128xf32>
    %lt3A_24 = arith.cmpf olt, %add3A_23, %select_n3A : vector<256x128xf32>
    %select_n3A_25 = arith.select %lt3A_24, %add3A_23, %select_n3A : vector<256x128xi1>, vector<256x128xf32>
    %jit3A_26 = arith.constant 2.000000e+00 : f32
    %broadcast_in_dim3A_27 = vector.broadcast %jit3A_26 : f32 to vector<256x128xf32>
    %select_n3A_28 = arith.select %lt3A_24, %broadcast_in_dim3A_27, %select_n3A_20 : vector<256x128xi1>, vector<256x128xf32>
    %slice3A_29 = vector.extract_strided_slice %dot_general3A_13 {offsets = [0, 384], sizes = [256, 128], strides = [1, 1]} : vector<256x512xf32> to vector<256x128xf32>
    %add3A_30 = vector.broadcast %get3A_9 : vector<256x1xf32> to vector<256x128xf32>
    %add3A_31 = arith.addf %add3A_30, %slice3A_29 : vector<256x128xf32>
    %lt3A_32 = arith.cmpf olt, %add3A_31, %select_n3A_25 : vector<256x128xf32>
    %select_n3A_33 = arith.select %lt3A_32, %add3A_31, %select_n3A_25 : vector<256x128xi1>, vector<256x128xf32>
    %jit3A_34 = arith.constant 3.000000e+00 : f32
    %broadcast_in_dim3A_35 = vector.broadcast %jit3A_34 : f32 to vector<256x128xf32>
    %select_n3A_36 = arith.select %lt3A_32, %broadcast_in_dim3A_35, %select_n3A_28 : vector<256x128xi1>, vector<256x128xf32>
    %get3A_37 = arith.constant 512 : index
    %get3A_38 = arith.constant 0 : index
    %get3A_39 = vector.load %arg7[%get3A_37, %get3A_38] : memref<8192x32xf32, #tpu.memory_space<vmem>>, vector<512x32xf32>
    %dot_general3A_40 = arith.constant dense<0.000000e+00> : vector<256x512xf32>
    %dot_general3A_41 = tpu.matmul %get3A_4, %get3A_39, %dot_general3A_40 {dimension_numbers = #tpu.dot_dimension_numbers<[1], [1], [0], [0], [0, 0, 1, 0], [], []>, transpose_lhs_hint = false} : vector<256x32xf32>, vector<512x32xf32>, vector<256x512xf32> -> vector<256x512xf32>
    %slice3A_42 = vector.extract_strided_slice %dot_general3A_41 {offsets = [0, 0], sizes = [256, 128], strides = [1, 1]} : vector<256x512xf32> to vector<256x128xf32>
    %add3A_43 = vector.broadcast %get3A_9 : vector<256x1xf32> to vector<256x128xf32>
    %add3A_44 = arith.addf %add3A_43, %slice3A_42 : vector<256x128xf32>
    %lt3A_45 = arith.cmpf olt, %add3A_44, %select_n3A_33 : vector<256x128xf32>
    %select_n3A_46 = arith.select %lt3A_45, %add3A_44, %select_n3A_33 : vector<256x128xi1>, vector<256x128xf32>
    %jit3A_47 = arith.constant 4.000000e+00 : f32
    %broadcast_in_dim3A_48 = vector.broadcast %jit3A_47 : f32 to vector<256x128xf32>
    %select_n3A_49 = arith.select %lt3A_45, %broadcast_in_dim3A_48, %select_n3A_36 : vector<256x128xi1>, vector<256x128xf32>
    %slice3A_50 = vector.extract_strided_slice %dot_general3A_41 {offsets = [0, 128], sizes = [256, 128], strides = [1, 1]} : vector<256x512xf32> to vector<256x128xf32>
    %add3A_51 = vector.broadcast %get3A_9 : vector<256x1xf32> to vector<256x128xf32>
    %add3A_52 = arith.addf %add3A_51, %slice3A_50 : vector<256x128xf32>
    %lt3A_53 = arith.cmpf olt, %add3A_52, %select_n3A_46 : vector<256x128xf32>
    %select_n3A_54 = arith.select %lt3A_53, %add3A_52, %select_n3A_46 : vector<256x128xi1>, vector<256x128xf32>
    %jit3A_55 = arith.constant 5.000000e+00 : f32
    %broadcast_in_dim3A_56 = vector.broadcast %jit3A_55 : f32 to vector<256x128xf32>
    %select_n3A_57 = arith.select %lt3A_53, %broadcast_in_dim3A_56, %select_n3A_49 : vector<256x128xi1>, vector<256x128xf32>
    %slice3A_58 = vector.extract_strided_slice %dot_general3A_41 {offsets = [0, 256], sizes = [256, 128], strides = [1, 1]} : vector<256x512xf32> to vector<256x128xf32>
    %add3A_59 = vector.broadcast %get3A_9 : vector<256x1xf32> to vector<256x128xf32>
    %add3A_60 = arith.addf %add3A_59, %slice3A_58 : vector<256x128xf32>
    %lt3A_61 = arith.cmpf olt, %add3A_60, %select_n3A_54 : vector<256x128xf32>
    %select_n3A_62 = arith.select %lt3A_61, %add3A_60, %select_n3A_54 : vector<256x128xi1>, vector<256x128xf32>
    %jit3A_63 = arith.constant 6.000000e+00 : f32
    %broadcast_in_dim3A_64 = vector.broadcast %jit3A_63 : f32 to vector<256x128xf32>
    %select_n3A_65 = arith.select %lt3A_61, %broadcast_in_dim3A_64, %select_n3A_57 : vector<256x128xi1>, vector<256x128xf32>
    %slice3A_66 = vector.extract_strided_slice %dot_general3A_41 {offsets = [0, 384], sizes = [256, 128], strides = [1, 1]} : vector<256x512xf32> to vector<256x128xf32>
    %add3A_67 = vector.broadcast %get3A_9 : vector<256x1xf32> to vector<256x128xf32>
    %add3A_68 = arith.addf %add3A_67, %slice3A_66 : vector<256x128xf32>
    %lt3A_69 = arith.cmpf olt, %add3A_68, %select_n3A_62 : vector<256x128xf32>
    %select_n3A_70 = arith.select %lt3A_69, %add3A_68, %select_n3A_62 : vector<256x128xi1>, vector<256x128xf32>
    %jit3A_71 = arith.constant 7.000000e+00 : f32
    %broadcast_in_dim3A_72 = vector.broadcast %jit3A_71 : f32 to vector<256x128xf32>
    %select_n3A_73 = arith.select %lt3A_69, %broadcast_in_dim3A_72, %select_n3A_65 : vector<256x128xi1>, vector<256x128xf32>
    %get3A_74 = arith.constant 1024 : index
    %get3A_75 = arith.constant 0 : index
    %get3A_76 = vector.load %arg7[%get3A_74, %get3A_75] : memref<8192x32xf32, #tpu.memory_space<vmem>>, vector<512x32xf32>
    %dot_general3A_77 = arith.constant dense<0.000000e+00> : vector<256x512xf32>
    %dot_general3A_78 = tpu.matmul %get3A_4, %get3A_76, %dot_general3A_77 {dimension_numbers = #tpu.dot_dimension_numbers<[1], [1], [0], [0], [0, 0, 1, 0], [], []>, transpose_lhs_hint = false} : vector<256x32xf32>, vector<512x32xf32>, vector<256x512xf32> -> vector<256x512xf32>
    %slice3A_79 = vector.extract_strided_slice %dot_general3A_78 {offsets = [0, 0], sizes = [256, 128], strides = [1, 1]} : vector<256x512xf32> to vector<256x128xf32>
    %add3A_80 = vector.broadcast %get3A_9 : vector<256x1xf32> to vector<256x128xf32>
    %add3A_81 = arith.addf %add3A_80, %slice3A_79 : vector<256x128xf32>
    %lt3A_82 = arith.cmpf olt, %add3A_81, %select_n3A_70 : vector<256x128xf32>
    %select_n3A_83 = arith.select %lt3A_82, %add3A_81, %select_n3A_70 : vector<256x128xi1>, vector<256x128xf32>
    %jit3A_84 = arith.constant 8.000000e+00 : f32
    %broadcast_in_dim3A_85 = vector.broadcast %jit3A_84 : f32 to vector<256x128xf32>
    %select_n3A_86 = arith.select %lt3A_82, %broadcast_in_dim3A_85, %select_n3A_73 : vector<256x128xi1>, vector<256x128xf32>
    %slice3A_87 = vector.extract_strided_slice %dot_general3A_78 {offsets = [0, 128], sizes = [256, 128], strides = [1, 1]} : vector<256x512xf32> to vector<256x128xf32>
    %add3A_88 = vector.broadcast %get3A_9 : vector<256x1xf32> to vector<256x128xf32>
    %add3A_89 = arith.addf %add3A_88, %slice3A_87 : vector<256x128xf32>
    %lt3A_90 = arith.cmpf olt, %add3A_89, %select_n3A_83 : vector<256x128xf32>
    %select_n3A_91 = arith.select %lt3A_90, %add3A_89, %select_n3A_83 : vector<256x128xi1>, vector<256x128xf32>
    %jit3A_92 = arith.constant 9.000000e+00 : f32
    %broadcast_in_dim3A_93 = vector.broadcast %jit3A_92 : f32 to vector<256x128xf32>
    %select_n3A_94 = arith.select %lt3A_90, %broadcast_in_dim3A_93, %select_n3A_86 : vector<256x128xi1>, vector<256x128xf32>
    %slice3A_95 = vector.extract_strided_slice %dot_general3A_78 {offsets = [0, 256], sizes = [256, 128], strides = [1, 1]} : vector<256x512xf32> to vector<256x128xf32>
    %add3A_96 = vector.broadcast %get3A_9 : vector<256x1xf32> to vector<256x128xf32>
    %add3A_97 = arith.addf %add3A_96, %slice3A_95 : vector<256x128xf32>
    %lt3A_98 = arith.cmpf olt, %add3A_97, %select_n3A_91 : vector<256x128xf32>
    %select_n3A_99 = arith.select %lt3A_98, %add3A_97, %select_n3A_91 : vector<256x128xi1>, vector<256x128xf32>
    %jit3A_100 = arith.constant 1.000000e+01 : f32
    %broadcast_in_dim3A_101 = vector.broadcast %jit3A_100 : f32 to vector<256x128xf32>
    %select_n3A_102 = arith.select %lt3A_98, %broadcast_in_dim3A_101, %select_n3A_94 : vector<256x128xi1>, vector<256x128xf32>
    %slice3A_103 = vector.extract_strided_slice %dot_general3A_78 {offsets = [0, 384], sizes = [256, 128], strides = [1, 1]} : vector<256x512xf32> to vector<256x128xf32>
    %add3A_104 = vector.broadcast %get3A_9 : vector<256x1xf32> to vector<256x128xf32>
    %add3A_105 = arith.addf %add3A_104, %slice3A_103 : vector<256x128xf32>
    %lt3A_106 = arith.cmpf olt, %add3A_105, %select_n3A_99 : vector<256x128xf32>
    %select_n3A_107 = arith.select %lt3A_106, %add3A_105, %select_n3A_99 : vector<256x128xi1>, vector<256x128xf32>
    %jit3A_108 = arith.constant 1.100000e+01 : f32
    %broadcast_in_dim3A_109 = vector.broadcast %jit3A_108 : f32 to vector<256x128xf32>
    %select_n3A_110 = arith.select %lt3A_106, %broadcast_in_dim3A_109, %select_n3A_102 : vector<256x128xi1>, vector<256x128xf32>
    %get3A_111 = arith.constant 1536 : index
    %get3A_112 = arith.constant 0 : index
    %get3A_113 = vector.load %arg7[%get3A_111, %get3A_112] : memref<8192x32xf32, #tpu.memory_space<vmem>>, vector<512x32xf32>
    %dot_general3A_114 = arith.constant dense<0.000000e+00> : vector<256x512xf32>
    %dot_general3A_115 = tpu.matmul %get3A_4, %get3A_113, %dot_general3A_114 {dimension_numbers = #tpu.dot_dimension_numbers<[1], [1], [0], [0], [0, 0, 1, 0], [], []>, transpose_lhs_hint = false} : vector<256x32xf32>, vector<512x32xf32>, vector<256x512xf32> -> vector<256x512xf32>
    %slice3A_116 = vector.extract_strided_slice %dot_general3A_115 {offsets = [0, 0], sizes = [256, 128], strides = [1, 1]} : vector<256x512xf32> to vector<256x128xf32>
    %add3A_117 = vector.broadcast %get3A_9 : vector<256x1xf32> to vector<256x128xf32>
    %add3A_118 = arith.addf %add3A_117, %slice3A_116 : vector<256x128xf32>
    %lt3A_119 = arith.cmpf olt, %add3A_118, %select_n3A_107 : vector<256x128xf32>
    %select_n3A_120 = arith.select %lt3A_119, %add3A_118, %select_n3A_107 : vector<256x128xi1>, vector<256x128xf32>
    %jit3A_121 = arith.constant 1.200000e+01 : f32
    %broadcast_in_dim3A_122 = vector.broadcast %jit3A_121 : f32 to vector<256x128xf32>
    %select_n3A_123 = arith.select %lt3A_119, %broadcast_in_dim3A_122, %select_n3A_110 : vector<256x128xi1>, vector<256x128xf32>
    %slice3A_124 = vector.extract_strided_slice %dot_general3A_115 {offsets = [0, 128], sizes = [256, 128], strides = [1, 1]} : vector<256x512xf32> to vector<256x128xf32>
    %add3A_125 = vector.broadcast %get3A_9 : vector<256x1xf32> to vector<256x128xf32>
    %add3A_126 = arith.addf %add3A_125, %slice3A_124 : vector<256x128xf32>
    %lt3A_127 = arith.cmpf olt, %add3A_126, %select_n3A_120 : vector<256x128xf32>
    %select_n3A_128 = arith.select %lt3A_127, %add3A_126, %select_n3A_120 : vector<256x128xi1>, vector<256x128xf32>
    %jit3A_129 = arith.constant 1.300000e+01 : f32
    %broadcast_in_dim3A_130 = vector.broadcast %jit3A_129 : f32 to vector<256x128xf32>
    %select_n3A_131 = arith.select %lt3A_127, %broadcast_in_dim3A_130, %select_n3A_123 : vector<256x128xi1>, vector<256x128xf32>
    %slice3A_132 = vector.extract_strided_slice %dot_general3A_115 {offsets = [0, 256], sizes = [256, 128], strides = [1, 1]} : vector<256x512xf32> to vector<256x128xf32>
    %add3A_133 = vector.broadcast %get3A_9 : vector<256x1xf32> to vector<256x128xf32>
    %add3A_134 = arith.addf %add3A_133, %slice3A_132 : vector<256x128xf32>
    %lt3A_135 = arith.cmpf olt, %add3A_134, %select_n3A_128 : vector<256x128xf32>
    %select_n3A_136 = arith.select %lt3A_135, %add3A_134, %select_n3A_128 : vector<256x128xi1>, vector<256x128xf32>
    %jit3A_137 = arith.constant 1.400000e+01 : f32
    %broadcast_in_dim3A_138 = vector.broadcast %jit3A_137 : f32 to vector<256x128xf32>
    %select_n3A_139 = arith.select %lt3A_135, %broadcast_in_dim3A_138, %select_n3A_131 : vector<256x128xi1>, vector<256x128xf32>
    %slice3A_140 = vector.extract_strided_slice %dot_general3A_115 {offsets = [0, 384], sizes = [256, 128], strides = [1, 1]} : vector<256x512xf32> to vector<256x128xf32>
    %add3A_141 = vector.broadcast %get3A_9 : vector<256x1xf32> to vector<256x128xf32>
    %add3A_142 = arith.addf %add3A_141, %slice3A_140 : vector<256x128xf32>
    %lt3A_143 = arith.cmpf olt, %add3A_142, %select_n3A_136 : vector<256x128xf32>
    %select_n3A_144 = arith.select %lt3A_143, %add3A_142, %select_n3A_136 : vector<256x128xi1>, vector<256x128xf32>
    %jit3A_145 = arith.constant 1.500000e+01 : f32
    %broadcast_in_dim3A_146 = vector.broadcast %jit3A_145 : f32 to vector<256x128xf32>
    %select_n3A_147 = arith.select %lt3A_143, %broadcast_in_dim3A_146, %select_n3A_139 : vector<256x128xi1>, vector<256x128xf32>
    %get3A_148 = arith.constant 2048 : index
    %get3A_149 = arith.constant 0 : index
    %get3A_150 = vector.load %arg7[%get3A_148, %get3A_149] : memref<8192x32xf32, #tpu.memory_space<vmem>>, vector<512x32xf32>
    %dot_general3A_151 = arith.constant dense<0.000000e+00> : vector<256x512xf32>
    %dot_general3A_152 = tpu.matmul %get3A_4, %get3A_150, %dot_general3A_151 {dimension_numbers = #tpu.dot_dimension_numbers<[1], [1], [0], [0], [0, 0, 1, 0], [], []>, transpose_lhs_hint = false} : vector<256x32xf32>, vector<512x32xf32>, vector<256x512xf32> -> vector<256x512xf32>
    %slice3A_153 = vector.extract_strided_slice %dot_general3A_152 {offsets = [0, 0], sizes = [256, 128], strides = [1, 1]} : vector<256x512xf32> to vector<256x128xf32>
    %add3A_154 = vector.broadcast %get3A_9 : vector<256x1xf32> to vector<256x128xf32>
    %add3A_155 = arith.addf %add3A_154, %slice3A_153 : vector<256x128xf32>
    %lt3A_156 = arith.cmpf olt, %add3A_155, %select_n3A_144 : vector<256x128xf32>
    %select_n3A_157 = arith.select %lt3A_156, %add3A_155, %select_n3A_144 : vector<256x128xi1>, vector<256x128xf32>
    %jit3A_158 = arith.constant 1.600000e+01 : f32
    %broadcast_in_dim3A_159 = vector.broadcast %jit3A_158 : f32 to vector<256x128xf32>
    %select_n3A_160 = arith.select %lt3A_156, %broadcast_in_dim3A_159, %select_n3A_147 : vector<256x128xi1>, vector<256x128xf32>
    %slice3A_161 = vector.extract_strided_slice %dot_general3A_152 {offsets = [0, 128], sizes = [256, 128], strides = [1, 1]} : vector<256x512xf32> to vector<256x128xf32>
    %add3A_162 = vector.broadcast %get3A_9 : vector<256x1xf32> to vector<256x128xf32>
    %add3A_163 = arith.addf %add3A_162, %slice3A_161 : vector<256x128xf32>
    %lt3A_164 = arith.cmpf olt, %add3A_163, %select_n3A_157 : vector<256x128xf32>
    %select_n3A_165 = arith.select %lt3A_164, %add3A_163, %select_n3A_157 : vector<256x128xi1>, vector<256x128xf32>
    %jit3A_166 = arith.constant 1.700000e+01 : f32
    %broadcast_in_dim3A_167 = vector.broadcast %jit3A_166 : f32 to vector<256x128xf32>
    %select_n3A_168 = arith.select %lt3A_164, %broadcast_in_dim3A_167, %select_n3A_160 : vector<256x128xi1>, vector<256x128xf32>
    %slice3A_169 = vector.extract_strided_slice %dot_general3A_152 {offsets = [0, 256], sizes = [256, 128], strides = [1, 1]} : vector<256x512xf32> to vector<256x128xf32>
    %add3A_170 = vector.broadcast %get3A_9 : vector<256x1xf32> to vector<256x128xf32>
    %add3A_171 = arith.addf %add3A_170, %slice3A_169 : vector<256x128xf32>
    %lt3A_172 = arith.cmpf olt, %add3A_171, %select_n3A_165 : vector<256x128xf32>
    %select_n3A_173 = arith.select %lt3A_172, %add3A_171, %select_n3A_165 : vector<256x128xi1>, vector<256x128xf32>
    %jit3A_174 = arith.constant 1.800000e+01 : f32
    %broadcast_in_dim3A_175 = vector.broadcast %jit3A_174 : f32 to vector<256x128xf32>
    %select_n3A_176 = arith.select %lt3A_172, %broadcast_in_dim3A_175, %select_n3A_168 : vector<256x128xi1>, vector<256x128xf32>
    %slice3A_177 = vector.extract_strided_slice %dot_general3A_152 {offsets = [0, 384], sizes = [256, 128], strides = [1, 1]} : vector<256x512xf32> to vector<256x128xf32>
    %add3A_178 = vector.broadcast %get3A_9 : vector<256x1xf32> to vector<256x128xf32>
    %add3A_179 = arith.addf %add3A_178, %slice3A_177 : vector<256x128xf32>
    %lt3A_180 = arith.cmpf olt, %add3A_179, %select_n3A_173 : vector<256x128xf32>
    %select_n3A_181 = arith.select %lt3A_180, %add3A_179, %select_n3A_173 : vector<256x128xi1>, vector<256x128xf32>
    %jit3A_182 = arith.constant 1.900000e+01 : f32
    %broadcast_in_dim3A_183 = vector.broadcast %jit3A_182 : f32 to vector<256x128xf32>
    %select_n3A_184 = arith.select %lt3A_180, %broadcast_in_dim3A_183, %select_n3A_176 : vector<256x128xi1>, vector<256x128xf32>
    %get3A_185 = arith.constant 2560 : index
    %get3A_186 = arith.constant 0 : index
    %get3A_187 = vector.load %arg7[%get3A_185, %get3A_186] : memref<8192x32xf32, #tpu.memory_space<vmem>>, vector<512x32xf32>
    %dot_general3A_188 = arith.constant dense<0.000000e+00> : vector<256x512xf32>
    %dot_general3A_189 = tpu.matmul %get3A_4, %get3A_187, %dot_general3A_188 {dimension_numbers = #tpu.dot_dimension_numbers<[1], [1], [0], [0], [0, 0, 1, 0], [], []>, transpose_lhs_hint = false} : vector<256x32xf32>, vector<512x32xf32>, vector<256x512xf32> -> vector<256x512xf32>
    %slice3A_190 = vector.extract_strided_slice %dot_general3A_189 {offsets = [0, 0], sizes = [256, 128], strides = [1, 1]} : vector<256x512xf32> to vector<256x128xf32>
    %add3A_191 = vector.broadcast %get3A_9 : vector<256x1xf32> to vector<256x128xf32>
    %add3A_192 = arith.addf %add3A_191, %slice3A_190 : vector<256x128xf32>
    %lt3A_193 = arith.cmpf olt, %add3A_192, %select_n3A_181 : vector<256x128xf32>
    %select_n3A_194 = arith.select %lt3A_193, %add3A_192, %select_n3A_181 : vector<256x128xi1>, vector<256x128xf32>
    %jit3A_195 = arith.constant 2.000000e+01 : f32
    %broadcast_in_dim3A_196 = vector.broadcast %jit3A_195 : f32 to vector<256x128xf32>
    %select_n3A_197 = arith.select %lt3A_193, %broadcast_in_dim3A_196, %select_n3A_184 : vector<256x128xi1>, vector<256x128xf32>
    %slice3A_198 = vector.extract_strided_slice %dot_general3A_189 {offsets = [0, 128], sizes = [256, 128], strides = [1, 1]} : vector<256x512xf32> to vector<256x128xf32>
    %add3A_199 = vector.broadcast %get3A_9 : vector<256x1xf32> to vector<256x128xf32>
    %add3A_200 = arith.addf %add3A_199, %slice3A_198 : vector<256x128xf32>
    %lt3A_201 = arith.cmpf olt, %add3A_200, %select_n3A_194 : vector<256x128xf32>
    %select_n3A_202 = arith.select %lt3A_201, %add3A_200, %select_n3A_194 : vector<256x128xi1>, vector<256x128xf32>
    %jit3A_203 = arith.constant 2.100000e+01 : f32
    %broadcast_in_dim3A_204 = vector.broadcast %jit3A_203 : f32 to vector<256x128xf32>
    %select_n3A_205 = arith.select %lt3A_201, %broadcast_in_dim3A_204, %select_n3A_197 : vector<256x128xi1>, vector<256x128xf32>
    %slice3A_206 = vector.extract_strided_slice %dot_general3A_189 {offsets = [0, 256], sizes = [256, 128], strides = [1, 1]} : vector<256x512xf32> to vector<256x128xf32>
    %add3A_207 = vector.broadcast %get3A_9 : vector<256x1xf32> to vector<256x128xf32>
    %add3A_208 = arith.addf %add3A_207, %slice3A_206 : vector<256x128xf32>
    %lt3A_209 = arith.cmpf olt, %add3A_208, %select_n3A_202 : vector<256x128xf32>
    %select_n3A_210 = arith.select %lt3A_209, %add3A_208, %select_n3A_202 : vector<256x128xi1>, vector<256x128xf32>
    %jit3A_211 = arith.constant 2.200000e+01 : f32
    %broadcast_in_dim3A_212 = vector.broadcast %jit3A_211 : f32 to vector<256x128xf32>
    %select_n3A_213 = arith.select %lt3A_209, %broadcast_in_dim3A_212, %select_n3A_205 : vector<256x128xi1>, vector<256x128xf32>
    %slice3A_214 = vector.extract_strided_slice %dot_general3A_189 {offsets = [0, 384], sizes = [256, 128], strides = [1, 1]} : vector<256x512xf32> to vector<256x128xf32>
    %add3A_215 = vector.broadcast %get3A_9 : vector<256x1xf32> to vector<256x128xf32>
    %add3A_216 = arith.addf %add3A_215, %slice3A_214 : vector<256x128xf32>
    %lt3A_217 = arith.cmpf olt, %add3A_216, %select_n3A_210 : vector<256x128xf32>
    %select_n3A_218 = arith.select %lt3A_217, %add3A_216, %select_n3A_210 : vector<256x128xi1>, vector<256x128xf32>
    %jit3A_219 = arith.constant 2.300000e+01 : f32
    %broadcast_in_dim3A_220 = vector.broadcast %jit3A_219 : f32 to vector<256x128xf32>
    %select_n3A_221 = arith.select %lt3A_217, %broadcast_in_dim3A_220, %select_n3A_213 : vector<256x128xi1>, vector<256x128xf32>
    %get3A_222 = arith.constant 3072 : index
    %get3A_223 = arith.constant 0 : index
    %get3A_224 = vector.load %arg7[%get3A_222, %get3A_223] : memref<8192x32xf32, #tpu.memory_space<vmem>>, vector<512x32xf32>
    %dot_general3A_225 = arith.constant dense<0.000000e+00> : vector<256x512xf32>
    %dot_general3A_226 = tpu.matmul %get3A_4, %get3A_224, %dot_general3A_225 {dimension_numbers = #tpu.dot_dimension_numbers<[1], [1], [0], [0], [0, 0, 1, 0], [], []>, transpose_lhs_hint = false} : vector<256x32xf32>, vector<512x32xf32>, vector<256x512xf32> -> vector<256x512xf32>
    %slice3A_227 = vector.extract_strided_slice %dot_general3A_226 {offsets = [0, 0], sizes = [256, 128], strides = [1, 1]} : vector<256x512xf32> to vector<256x128xf32>
    %add3A_228 = vector.broadcast %get3A_9 : vector<256x1xf32> to vector<256x128xf32>
    %add3A_229 = arith.addf %add3A_228, %slice3A_227 : vector<256x128xf32>
    %lt3A_230 = arith.cmpf olt, %add3A_229, %select_n3A_218 : vector<256x128xf32>
    %select_n3A_231 = arith.select %lt3A_230, %add3A_229, %select_n3A_218 : vector<256x128xi1>, vector<256x128xf32>
    %jit3A_232 = arith.constant 2.400000e+01 : f32
    %broadcast_in_dim3A_233 = vector.broadcast %jit3A_232 : f32 to vector<256x128xf32>
    %select_n3A_234 = arith.select %lt3A_230, %broadcast_in_dim3A_233, %select_n3A_221 : vector<256x128xi1>, vector<256x128xf32>
    %slice3A_235 = vector.extract_strided_slice %dot_general3A_226 {offsets = [0, 128], sizes = [256, 128], strides = [1, 1]} : vector<256x512xf32> to vector<256x128xf32>
    %add3A_236 = vector.broadcast %get3A_9 : vector<256x1xf32> to vector<256x128xf32>
    %add3A_237 = arith.addf %add3A_236, %slice3A_235 : vector<256x128xf32>
    %lt3A_238 = arith.cmpf olt, %add3A_237, %select_n3A_231 : vector<256x128xf32>
    %select_n3A_239 = arith.select %lt3A_238, %add3A_237, %select_n3A_231 : vector<256x128xi1>, vector<256x128xf32>
    %jit3A_240 = arith.constant 2.500000e+01 : f32
    %broadcast_in_dim3A_241 = vector.broadcast %jit3A_240 : f32 to vector<256x128xf32>
    %select_n3A_242 = arith.select %lt3A_238, %broadcast_in_dim3A_241, %select_n3A_234 : vector<256x128xi1>, vector<256x128xf32>
    %slice3A_243 = vector.extract_strided_slice %dot_general3A_226 {offsets = [0, 256], sizes = [256, 128], strides = [1, 1]} : vector<256x512xf32> to vector<256x128xf32>
    %add3A_244 = vector.broadcast %get3A_9 : vector<256x1xf32> to vector<256x128xf32>
    %add3A_245 = arith.addf %add3A_244, %slice3A_243 : vector<256x128xf32>
    %lt3A_246 = arith.cmpf olt, %add3A_245, %select_n3A_239 : vector<256x128xf32>
    %select_n3A_247 = arith.select %lt3A_246, %add3A_245, %select_n3A_239 : vector<256x128xi1>, vector<256x128xf32>
    %jit3A_248 = arith.constant 2.600000e+01 : f32
    %broadcast_in_dim3A_249 = vector.broadcast %jit3A_248 : f32 to vector<256x128xf32>
    %select_n3A_250 = arith.select %lt3A_246, %broadcast_in_dim3A_249, %select_n3A_242 : vector<256x128xi1>, vector<256x128xf32>
    %slice3A_251 = vector.extract_strided_slice %dot_general3A_226 {offsets = [0, 384], sizes = [256, 128], strides = [1, 1]} : vector<256x512xf32> to vector<256x128xf32>
    %add3A_252 = vector.broadcast %get3A_9 : vector<256x1xf32> to vector<256x128xf32>
    %add3A_253 = arith.addf %add3A_252, %slice3A_251 : vector<256x128xf32>
    %lt3A_254 = arith.cmpf olt, %add3A_253, %select_n3A_247 : vector<256x128xf32>
    %select_n3A_255 = arith.select %lt3A_254, %add3A_253, %select_n3A_247 : vector<256x128xi1>, vector<256x128xf32>
    %jit3A_256 = arith.constant 2.700000e+01 : f32
    %broadcast_in_dim3A_257 = vector.broadcast %jit3A_256 : f32 to vector<256x128xf32>
    %select_n3A_258 = arith.select %lt3A_254, %broadcast_in_dim3A_257, %select_n3A_250 : vector<256x128xi1>, vector<256x128xf32>
    %get3A_259 = arith.constant 3584 : index
    %get3A_260 = arith.constant 0 : index
    %get3A_261 = vector.load %arg7[%get3A_259, %get3A_260] : memref<8192x32xf32, #tpu.memory_space<vmem>>, vector<512x32xf32>
    %dot_general3A_262 = arith.constant dense<0.000000e+00> : vector<256x512xf32>
    %dot_general3A_263 = tpu.matmul %get3A_4, %get3A_261, %dot_general3A_262 {dimension_numbers = #tpu.dot_dimension_numbers<[1], [1], [0], [0], [0, 0, 1, 0], [], []>, transpose_lhs_hint = false} : vector<256x32xf32>, vector<512x32xf32>, vector<256x512xf32> -> vector<256x512xf32>
    %slice3A_264 = vector.extract_strided_slice %dot_general3A_263 {offsets = [0, 0], sizes = [256, 128], strides = [1, 1]} : vector<256x512xf32> to vector<256x128xf32>
    %add3A_265 = vector.broadcast %get3A_9 : vector<256x1xf32> to vector<256x128xf32>
    %add3A_266 = arith.addf %add3A_265, %slice3A_264 : vector<256x128xf32>
    %lt3A_267 = arith.cmpf olt, %add3A_266, %select_n3A_255 : vector<256x128xf32>
    %select_n3A_268 = arith.select %lt3A_267, %add3A_266, %select_n3A_255 : vector<256x128xi1>, vector<256x128xf32>
    %jit3A_269 = arith.constant 2.800000e+01 : f32
    %broadcast_in_dim3A_270 = vector.broadcast %jit3A_269 : f32 to vector<256x128xf32>
    %select_n3A_271 = arith.select %lt3A_267, %broadcast_in_dim3A_270, %select_n3A_258 : vector<256x128xi1>, vector<256x128xf32>
    %slice3A_272 = vector.extract_strided_slice %dot_general3A_263 {offsets = [0, 128], sizes = [256, 128], strides = [1, 1]} : vector<256x512xf32> to vector<256x128xf32>
    %add3A_273 = vector.broadcast %get3A_9 : vector<256x1xf32> to vector<256x128xf32>
    %add3A_274 = arith.addf %add3A_273, %slice3A_272 : vector<256x128xf32>
    %lt3A_275 = arith.cmpf olt, %add3A_274, %select_n3A_268 : vector<256x128xf32>
    %select_n3A_276 = arith.select %lt3A_275, %add3A_274, %select_n3A_268 : vector<256x128xi1>, vector<256x128xf32>
    %jit3A_277 = arith.constant 2.900000e+01 : f32
    %broadcast_in_dim3A_278 = vector.broadcast %jit3A_277 : f32 to vector<256x128xf32>
    %select_n3A_279 = arith.select %lt3A_275, %broadcast_in_dim3A_278, %select_n3A_271 : vector<256x128xi1>, vector<256x128xf32>
    %slice3A_280 = vector.extract_strided_slice %dot_general3A_263 {offsets = [0, 256], sizes = [256, 128], strides = [1, 1]} : vector<256x512xf32> to vector<256x128xf32>
    %add3A_281 = vector.broadcast %get3A_9 : vector<256x1xf32> to vector<256x128xf32>
    %add3A_282 = arith.addf %add3A_281, %slice3A_280 : vector<256x128xf32>
    %lt3A_283 = arith.cmpf olt, %add3A_282, %select_n3A_276 : vector<256x128xf32>
    %select_n3A_284 = arith.select %lt3A_283, %add3A_282, %select_n3A_276 : vector<256x128xi1>, vector<256x128xf32>
    %jit3A_285 = arith.constant 3.000000e+01 : f32
    %broadcast_in_dim3A_286 = vector.broadcast %jit3A_285 : f32 to vector<256x128xf32>
    %select_n3A_287 = arith.select %lt3A_283, %broadcast_in_dim3A_286, %select_n3A_279 : vector<256x128xi1>, vector<256x128xf32>
    %slice3A_288 = vector.extract_strided_slice %dot_general3A_263 {offsets = [0, 384], sizes = [256, 128], strides = [1, 1]} : vector<256x512xf32> to vector<256x128xf32>
    %add3A_289 = vector.broadcast %get3A_9 : vector<256x1xf32> to vector<256x128xf32>
    %add3A_290 = arith.addf %add3A_289, %slice3A_288 : vector<256x128xf32>
    %lt3A_291 = arith.cmpf olt, %add3A_290, %select_n3A_284 : vector<256x128xf32>
    %select_n3A_292 = arith.select %lt3A_291, %add3A_290, %select_n3A_284 : vector<256x128xi1>, vector<256x128xf32>
    %jit3A_293 = arith.constant 3.100000e+01 : f32
    %broadcast_in_dim3A_294 = vector.broadcast %jit3A_293 : f32 to vector<256x128xf32>
    %select_n3A_295 = arith.select %lt3A_291, %broadcast_in_dim3A_294, %select_n3A_287 : vector<256x128xi1>, vector<256x128xf32>
    %get3A_296 = arith.constant 4096 : index
    %get3A_297 = arith.constant 0 : index
    %get3A_298 = vector.load %arg7[%get3A_296, %get3A_297] : memref<8192x32xf32, #tpu.memory_space<vmem>>, vector<512x32xf32>
    %dot_general3A_299 = arith.constant dense<0.000000e+00> : vector<256x512xf32>
    %dot_general3A_300 = tpu.matmul %get3A_4, %get3A_298, %dot_general3A_299 {dimension_numbers = #tpu.dot_dimension_numbers<[1], [1], [0], [0], [0, 0, 1, 0], [], []>, transpose_lhs_hint = false} : vector<256x32xf32>, vector<512x32xf32>, vector<256x512xf32> -> vector<256x512xf32>
    %slice3A_301 = vector.extract_strided_slice %dot_general3A_300 {offsets = [0, 0], sizes = [256, 128], strides = [1, 1]} : vector<256x512xf32> to vector<256x128xf32>
    %add3A_302 = vector.broadcast %get3A_9 : vector<256x1xf32> to vector<256x128xf32>
    %add3A_303 = arith.addf %add3A_302, %slice3A_301 : vector<256x128xf32>
    %lt3A_304 = arith.cmpf olt, %add3A_303, %select_n3A_292 : vector<256x128xf32>
    %select_n3A_305 = arith.select %lt3A_304, %add3A_303, %select_n3A_292 : vector<256x128xi1>, vector<256x128xf32>
    %jit3A_306 = arith.constant 3.200000e+01 : f32
    %broadcast_in_dim3A_307 = vector.broadcast %jit3A_306 : f32 to vector<256x128xf32>
    %select_n3A_308 = arith.select %lt3A_304, %broadcast_in_dim3A_307, %select_n3A_295 : vector<256x128xi1>, vector<256x128xf32>
    %slice3A_309 = vector.extract_strided_slice %dot_general3A_300 {offsets = [0, 128], sizes = [256, 128], strides = [1, 1]} : vector<256x512xf32> to vector<256x128xf32>
    %add3A_310 = vector.broadcast %get3A_9 : vector<256x1xf32> to vector<256x128xf32>
    %add3A_311 = arith.addf %add3A_310, %slice3A_309 : vector<256x128xf32>
    %lt3A_312 = arith.cmpf olt, %add3A_311, %select_n3A_305 : vector<256x128xf32>
    %select_n3A_313 = arith.select %lt3A_312, %add3A_311, %select_n3A_305 : vector<256x128xi1>, vector<256x128xf32>
    %jit3A_314 = arith.constant 3.300000e+01 : f32
    %broadcast_in_dim3A_315 = vector.broadcast %jit3A_314 : f32 to vector<256x128xf32>
    %select_n3A_316 = arith.select %lt3A_312, %broadcast_in_dim3A_315, %select_n3A_308 : vector<256x128xi1>, vector<256x128xf32>
    %slice3A_317 = vector.extract_strided_slice %dot_general3A_300 {offsets = [0, 256], sizes = [256, 128], strides = [1, 1]} : vector<256x512xf32> to vector<256x128xf32>
    %add3A_318 = vector.broadcast %get3A_9 : vector<256x1xf32> to vector<256x128xf32>
    %add3A_319 = arith.addf %add3A_318, %slice3A_317 : vector<256x128xf32>
    %lt3A_320 = arith.cmpf olt, %add3A_319, %select_n3A_313 : vector<256x128xf32>
    %select_n3A_321 = arith.select %lt3A_320, %add3A_319, %select_n3A_313 : vector<256x128xi1>, vector<256x128xf32>
    %jit3A_322 = arith.constant 3.400000e+01 : f32
    %broadcast_in_dim3A_323 = vector.broadcast %jit3A_322 : f32 to vector<256x128xf32>
    %select_n3A_324 = arith.select %lt3A_320, %broadcast_in_dim3A_323, %select_n3A_316 : vector<256x128xi1>, vector<256x128xf32>
    %slice3A_325 = vector.extract_strided_slice %dot_general3A_300 {offsets = [0, 384], sizes = [256, 128], strides = [1, 1]} : vector<256x512xf32> to vector<256x128xf32>
    %add3A_326 = vector.broadcast %get3A_9 : vector<256x1xf32> to vector<256x128xf32>
    %add3A_327 = arith.addf %add3A_326, %slice3A_325 : vector<256x128xf32>
    %lt3A_328 = arith.cmpf olt, %add3A_327, %select_n3A_321 : vector<256x128xf32>
    %select_n3A_329 = arith.select %lt3A_328, %add3A_327, %select_n3A_321 : vector<256x128xi1>, vector<256x128xf32>
    %jit3A_330 = arith.constant 3.500000e+01 : f32
    %broadcast_in_dim3A_331 = vector.broadcast %jit3A_330 : f32 to vector<256x128xf32>
    %select_n3A_332 = arith.select %lt3A_328, %broadcast_in_dim3A_331, %select_n3A_324 : vector<256x128xi1>, vector<256x128xf32>
    %get3A_333 = arith.constant 4608 : index
    %get3A_334 = arith.constant 0 : index
    %get3A_335 = vector.load %arg7[%get3A_333, %get3A_334] : memref<8192x32xf32, #tpu.memory_space<vmem>>, vector<512x32xf32>
    %dot_general3A_336 = arith.constant dense<0.000000e+00> : vector<256x512xf32>
    %dot_general3A_337 = tpu.matmul %get3A_4, %get3A_335, %dot_general3A_336 {dimension_numbers = #tpu.dot_dimension_numbers<[1], [1], [0], [0], [0, 0, 1, 0], [], []>, transpose_lhs_hint = false} : vector<256x32xf32>, vector<512x32xf32>, vector<256x512xf32> -> vector<256x512xf32>
    %slice3A_338 = vector.extract_strided_slice %dot_general3A_337 {offsets = [0, 0], sizes = [256, 128], strides = [1, 1]} : vector<256x512xf32> to vector<256x128xf32>
    %add3A_339 = vector.broadcast %get3A_9 : vector<256x1xf32> to vector<256x128xf32>
    %add3A_340 = arith.addf %add3A_339, %slice3A_338 : vector<256x128xf32>
    %lt3A_341 = arith.cmpf olt, %add3A_340, %select_n3A_329 : vector<256x128xf32>
    %select_n3A_342 = arith.select %lt3A_341, %add3A_340, %select_n3A_329 : vector<256x128xi1>, vector<256x128xf32>
    %jit3A_343 = arith.constant 3.600000e+01 : f32
    %broadcast_in_dim3A_344 = vector.broadcast %jit3A_343 : f32 to vector<256x128xf32>
    %select_n3A_345 = arith.select %lt3A_341, %broadcast_in_dim3A_344, %select_n3A_332 : vector<256x128xi1>, vector<256x128xf32>
    %slice3A_346 = vector.extract_strided_slice %dot_general3A_337 {offsets = [0, 128], sizes = [256, 128], strides = [1, 1]} : vector<256x512xf32> to vector<256x128xf32>
    %add3A_347 = vector.broadcast %get3A_9 : vector<256x1xf32> to vector<256x128xf32>
    %add3A_348 = arith.addf %add3A_347, %slice3A_346 : vector<256x128xf32>
    %lt3A_349 = arith.cmpf olt, %add3A_348, %select_n3A_342 : vector<256x128xf32>
    %select_n3A_350 = arith.select %lt3A_349, %add3A_348, %select_n3A_342 : vector<256x128xi1>, vector<256x128xf32>
    %jit3A_351 = arith.constant 3.700000e+01 : f32
    %broadcast_in_dim3A_352 = vector.broadcast %jit3A_351 : f32 to vector<256x128xf32>
    %select_n3A_353 = arith.select %lt3A_349, %broadcast_in_dim3A_352, %select_n3A_345 : vector<256x128xi1>, vector<256x128xf32>
    %slice3A_354 = vector.extract_strided_slice %dot_general3A_337 {offsets = [0, 256], sizes = [256, 128], strides = [1, 1]} : vector<256x512xf32> to vector<256x128xf32>
    %add3A_355 = vector.broadcast %get3A_9 : vector<256x1xf32> to vector<256x128xf32>
    %add3A_356 = arith.addf %add3A_355, %slice3A_354 : vector<256x128xf32>
    %lt3A_357 = arith.cmpf olt, %add3A_356, %select_n3A_350 : vector<256x128xf32>
    %select_n3A_358 = arith.select %lt3A_357, %add3A_356, %select_n3A_350 : vector<256x128xi1>, vector<256x128xf32>
    %jit3A_359 = arith.constant 3.800000e+01 : f32
    %broadcast_in_dim3A_360 = vector.broadcast %jit3A_359 : f32 to vector<256x128xf32>
    %select_n3A_361 = arith.select %lt3A_357, %broadcast_in_dim3A_360, %select_n3A_353 : vector<256x128xi1>, vector<256x128xf32>
    %slice3A_362 = vector.extract_strided_slice %dot_general3A_337 {offsets = [0, 384], sizes = [256, 128], strides = [1, 1]} : vector<256x512xf32> to vector<256x128xf32>
    %add3A_363 = vector.broadcast %get3A_9 : vector<256x1xf32> to vector<256x128xf32>
    %add3A_364 = arith.addf %add3A_363, %slice3A_362 : vector<256x128xf32>
    %lt3A_365 = arith.cmpf olt, %add3A_364, %select_n3A_358 : vector<256x128xf32>
    %select_n3A_366 = arith.select %lt3A_365, %add3A_364, %select_n3A_358 : vector<256x128xi1>, vector<256x128xf32>
    %jit3A_367 = arith.constant 3.900000e+01 : f32
    %broadcast_in_dim3A_368 = vector.broadcast %jit3A_367 : f32 to vector<256x128xf32>
    %select_n3A_369 = arith.select %lt3A_365, %broadcast_in_dim3A_368, %select_n3A_361 : vector<256x128xi1>, vector<256x128xf32>
    %get3A_370 = arith.constant 5120 : index
    %get3A_371 = arith.constant 0 : index
    %get3A_372 = vector.load %arg7[%get3A_370, %get3A_371] : memref<8192x32xf32, #tpu.memory_space<vmem>>, vector<512x32xf32>
    %dot_general3A_373 = arith.constant dense<0.000000e+00> : vector<256x512xf32>
    %dot_general3A_374 = tpu.matmul %get3A_4, %get3A_372, %dot_general3A_373 {dimension_numbers = #tpu.dot_dimension_numbers<[1], [1], [0], [0], [0, 0, 1, 0], [], []>, transpose_lhs_hint = false} : vector<256x32xf32>, vector<512x32xf32>, vector<256x512xf32> -> vector<256x512xf32>
    %slice3A_375 = vector.extract_strided_slice %dot_general3A_374 {offsets = [0, 0], sizes = [256, 128], strides = [1, 1]} : vector<256x512xf32> to vector<256x128xf32>
    %add3A_376 = vector.broadcast %get3A_9 : vector<256x1xf32> to vector<256x128xf32>
    %add3A_377 = arith.addf %add3A_376, %slice3A_375 : vector<256x128xf32>
    %lt3A_378 = arith.cmpf olt, %add3A_377, %select_n3A_366 : vector<256x128xf32>
    %select_n3A_379 = arith.select %lt3A_378, %add3A_377, %select_n3A_366 : vector<256x128xi1>, vector<256x128xf32>
    %jit3A_380 = arith.constant 4.000000e+01 : f32
    %broadcast_in_dim3A_381 = vector.broadcast %jit3A_380 : f32 to vector<256x128xf32>
    %select_n3A_382 = arith.select %lt3A_378, %broadcast_in_dim3A_381, %select_n3A_369 : vector<256x128xi1>, vector<256x128xf32>
    %slice3A_383 = vector.extract_strided_slice %dot_general3A_374 {offsets = [0, 128], sizes = [256, 128], strides = [1, 1]} : vector<256x512xf32> to vector<256x128xf32>
    %add3A_384 = vector.broadcast %get3A_9 : vector<256x1xf32> to vector<256x128xf32>
    %add3A_385 = arith.addf %add3A_384, %slice3A_383 : vector<256x128xf32>
    %lt3A_386 = arith.cmpf olt, %add3A_385, %select_n3A_379 : vector<256x128xf32>
    %select_n3A_387 = arith.select %lt3A_386, %add3A_385, %select_n3A_379 : vector<256x128xi1>, vector<256x128xf32>
    %jit3A_388 = arith.constant 4.100000e+01 : f32
    %broadcast_in_dim3A_389 = vector.broadcast %jit3A_388 : f32 to vector<256x128xf32>
    %select_n3A_390 = arith.select %lt3A_386, %broadcast_in_dim3A_389, %select_n3A_382 : vector<256x128xi1>, vector<256x128xf32>
    %slice3A_391 = vector.extract_strided_slice %dot_general3A_374 {offsets = [0, 256], sizes = [256, 128], strides = [1, 1]} : vector<256x512xf32> to vector<256x128xf32>
    %add3A_392 = vector.broadcast %get3A_9 : vector<256x1xf32> to vector<256x128xf32>
    %add3A_393 = arith.addf %add3A_392, %slice3A_391 : vector<256x128xf32>
    %lt3A_394 = arith.cmpf olt, %add3A_393, %select_n3A_387 : vector<256x128xf32>
    %select_n3A_395 = arith.select %lt3A_394, %add3A_393, %select_n3A_387 : vector<256x128xi1>, vector<256x128xf32>
    %jit3A_396 = arith.constant 4.200000e+01 : f32
    %broadcast_in_dim3A_397 = vector.broadcast %jit3A_396 : f32 to vector<256x128xf32>
    %select_n3A_398 = arith.select %lt3A_394, %broadcast_in_dim3A_397, %select_n3A_390 : vector<256x128xi1>, vector<256x128xf32>
    %slice3A_399 = vector.extract_strided_slice %dot_general3A_374 {offsets = [0, 384], sizes = [256, 128], strides = [1, 1]} : vector<256x512xf32> to vector<256x128xf32>
    %add3A_400 = vector.broadcast %get3A_9 : vector<256x1xf32> to vector<256x128xf32>
    %add3A_401 = arith.addf %add3A_400, %slice3A_399 : vector<256x128xf32>
    %lt3A_402 = arith.cmpf olt, %add3A_401, %select_n3A_395 : vector<256x128xf32>
    %select_n3A_403 = arith.select %lt3A_402, %add3A_401, %select_n3A_395 : vector<256x128xi1>, vector<256x128xf32>
    %jit3A_404 = arith.constant 4.300000e+01 : f32
    %broadcast_in_dim3A_405 = vector.broadcast %jit3A_404 : f32 to vector<256x128xf32>
    %select_n3A_406 = arith.select %lt3A_402, %broadcast_in_dim3A_405, %select_n3A_398 : vector<256x128xi1>, vector<256x128xf32>
    %get3A_407 = arith.constant 5632 : index
    %get3A_408 = arith.constant 0 : index
    %get3A_409 = vector.load %arg7[%get3A_407, %get3A_408] : memref<8192x32xf32, #tpu.memory_space<vmem>>, vector<512x32xf32>
    %dot_general3A_410 = arith.constant dense<0.000000e+00> : vector<256x512xf32>
    %dot_general3A_411 = tpu.matmul %get3A_4, %get3A_409, %dot_general3A_410 {dimension_numbers = #tpu.dot_dimension_numbers<[1], [1], [0], [0], [0, 0, 1, 0], [], []>, transpose_lhs_hint = false} : vector<256x32xf32>, vector<512x32xf32>, vector<256x512xf32> -> vector<256x512xf32>
    %slice3A_412 = vector.extract_strided_slice %dot_general3A_411 {offsets = [0, 0], sizes = [256, 128], strides = [1, 1]} : vector<256x512xf32> to vector<256x128xf32>
    %add3A_413 = vector.broadcast %get3A_9 : vector<256x1xf32> to vector<256x128xf32>
    %add3A_414 = arith.addf %add3A_413, %slice3A_412 : vector<256x128xf32>
    %lt3A_415 = arith.cmpf olt, %add3A_414, %select_n3A_403 : vector<256x128xf32>
    %select_n3A_416 = arith.select %lt3A_415, %add3A_414, %select_n3A_403 : vector<256x128xi1>, vector<256x128xf32>
    %jit3A_417 = arith.constant 4.400000e+01 : f32
    %broadcast_in_dim3A_418 = vector.broadcast %jit3A_417 : f32 to vector<256x128xf32>
    %select_n3A_419 = arith.select %lt3A_415, %broadcast_in_dim3A_418, %select_n3A_406 : vector<256x128xi1>, vector<256x128xf32>
    %slice3A_420 = vector.extract_strided_slice %dot_general3A_411 {offsets = [0, 128], sizes = [256, 128], strides = [1, 1]} : vector<256x512xf32> to vector<256x128xf32>
    %add3A_421 = vector.broadcast %get3A_9 : vector<256x1xf32> to vector<256x128xf32>
    %add3A_422 = arith.addf %add3A_421, %slice3A_420 : vector<256x128xf32>
    %lt3A_423 = arith.cmpf olt, %add3A_422, %select_n3A_416 : vector<256x128xf32>
    %select_n3A_424 = arith.select %lt3A_423, %add3A_422, %select_n3A_416 : vector<256x128xi1>, vector<256x128xf32>
    %jit3A_425 = arith.constant 4.500000e+01 : f32
    %broadcast_in_dim3A_426 = vector.broadcast %jit3A_425 : f32 to vector<256x128xf32>
    %select_n3A_427 = arith.select %lt3A_423, %broadcast_in_dim3A_426, %select_n3A_419 : vector<256x128xi1>, vector<256x128xf32>
    %slice3A_428 = vector.extract_strided_slice %dot_general3A_411 {offsets = [0, 256], sizes = [256, 128], strides = [1, 1]} : vector<256x512xf32> to vector<256x128xf32>
    %add3A_429 = vector.broadcast %get3A_9 : vector<256x1xf32> to vector<256x128xf32>
    %add3A_430 = arith.addf %add3A_429, %slice3A_428 : vector<256x128xf32>
    %lt3A_431 = arith.cmpf olt, %add3A_430, %select_n3A_424 : vector<256x128xf32>
    %select_n3A_432 = arith.select %lt3A_431, %add3A_430, %select_n3A_424 : vector<256x128xi1>, vector<256x128xf32>
    %jit3A_433 = arith.constant 4.600000e+01 : f32
    %broadcast_in_dim3A_434 = vector.broadcast %jit3A_433 : f32 to vector<256x128xf32>
    %select_n3A_435 = arith.select %lt3A_431, %broadcast_in_dim3A_434, %select_n3A_427 : vector<256x128xi1>, vector<256x128xf32>
    %slice3A_436 = vector.extract_strided_slice %dot_general3A_411 {offsets = [0, 384], sizes = [256, 128], strides = [1, 1]} : vector<256x512xf32> to vector<256x128xf32>
    %add3A_437 = vector.broadcast %get3A_9 : vector<256x1xf32> to vector<256x128xf32>
    %add3A_438 = arith.addf %add3A_437, %slice3A_436 : vector<256x128xf32>
    %lt3A_439 = arith.cmpf olt, %add3A_438, %select_n3A_432 : vector<256x128xf32>
    %select_n3A_440 = arith.select %lt3A_439, %add3A_438, %select_n3A_432 : vector<256x128xi1>, vector<256x128xf32>
    %jit3A_441 = arith.constant 4.700000e+01 : f32
    %broadcast_in_dim3A_442 = vector.broadcast %jit3A_441 : f32 to vector<256x128xf32>
    %select_n3A_443 = arith.select %lt3A_439, %broadcast_in_dim3A_442, %select_n3A_435 : vector<256x128xi1>, vector<256x128xf32>
    %get3A_444 = arith.constant 6144 : index
    %get3A_445 = arith.constant 0 : index
    %get3A_446 = vector.load %arg7[%get3A_444, %get3A_445] : memref<8192x32xf32, #tpu.memory_space<vmem>>, vector<512x32xf32>
    %dot_general3A_447 = arith.constant dense<0.000000e+00> : vector<256x512xf32>
    %dot_general3A_448 = tpu.matmul %get3A_4, %get3A_446, %dot_general3A_447 {dimension_numbers = #tpu.dot_dimension_numbers<[1], [1], [0], [0], [0, 0, 1, 0], [], []>, transpose_lhs_hint = false} : vector<256x32xf32>, vector<512x32xf32>, vector<256x512xf32> -> vector<256x512xf32>
    %slice3A_449 = vector.extract_strided_slice %dot_general3A_448 {offsets = [0, 0], sizes = [256, 128], strides = [1, 1]} : vector<256x512xf32> to vector<256x128xf32>
    %add3A_450 = vector.broadcast %get3A_9 : vector<256x1xf32> to vector<256x128xf32>
    %add3A_451 = arith.addf %add3A_450, %slice3A_449 : vector<256x128xf32>
    %lt3A_452 = arith.cmpf olt, %add3A_451, %select_n3A_440 : vector<256x128xf32>
    %select_n3A_453 = arith.select %lt3A_452, %add3A_451, %select_n3A_440 : vector<256x128xi1>, vector<256x128xf32>
    %jit3A_454 = arith.constant 4.800000e+01 : f32
    %broadcast_in_dim3A_455 = vector.broadcast %jit3A_454 : f32 to vector<256x128xf32>
    %select_n3A_456 = arith.select %lt3A_452, %broadcast_in_dim3A_455, %select_n3A_443 : vector<256x128xi1>, vector<256x128xf32>
    %slice3A_457 = vector.extract_strided_slice %dot_general3A_448 {offsets = [0, 128], sizes = [256, 128], strides = [1, 1]} : vector<256x512xf32> to vector<256x128xf32>
    %add3A_458 = vector.broadcast %get3A_9 : vector<256x1xf32> to vector<256x128xf32>
    %add3A_459 = arith.addf %add3A_458, %slice3A_457 : vector<256x128xf32>
    %lt3A_460 = arith.cmpf olt, %add3A_459, %select_n3A_453 : vector<256x128xf32>
    %select_n3A_461 = arith.select %lt3A_460, %add3A_459, %select_n3A_453 : vector<256x128xi1>, vector<256x128xf32>
    %jit3A_462 = arith.constant 4.900000e+01 : f32
    %broadcast_in_dim3A_463 = vector.broadcast %jit3A_462 : f32 to vector<256x128xf32>
    %select_n3A_464 = arith.select %lt3A_460, %broadcast_in_dim3A_463, %select_n3A_456 : vector<256x128xi1>, vector<256x128xf32>
    %slice3A_465 = vector.extract_strided_slice %dot_general3A_448 {offsets = [0, 256], sizes = [256, 128], strides = [1, 1]} : vector<256x512xf32> to vector<256x128xf32>
    %add3A_466 = vector.broadcast %get3A_9 : vector<256x1xf32> to vector<256x128xf32>
    %add3A_467 = arith.addf %add3A_466, %slice3A_465 : vector<256x128xf32>
    %lt3A_468 = arith.cmpf olt, %add3A_467, %select_n3A_461 : vector<256x128xf32>
    %select_n3A_469 = arith.select %lt3A_468, %add3A_467, %select_n3A_461 : vector<256x128xi1>, vector<256x128xf32>
    %jit3A_470 = arith.constant 5.000000e+01 : f32
    %broadcast_in_dim3A_471 = vector.broadcast %jit3A_470 : f32 to vector<256x128xf32>
    %select_n3A_472 = arith.select %lt3A_468, %broadcast_in_dim3A_471, %select_n3A_464 : vector<256x128xi1>, vector<256x128xf32>
    %slice3A_473 = vector.extract_strided_slice %dot_general3A_448 {offsets = [0, 384], sizes = [256, 128], strides = [1, 1]} : vector<256x512xf32> to vector<256x128xf32>
    %add3A_474 = vector.broadcast %get3A_9 : vector<256x1xf32> to vector<256x128xf32>
    %add3A_475 = arith.addf %add3A_474, %slice3A_473 : vector<256x128xf32>
    %lt3A_476 = arith.cmpf olt, %add3A_475, %select_n3A_469 : vector<256x128xf32>
    %select_n3A_477 = arith.select %lt3A_476, %add3A_475, %select_n3A_469 : vector<256x128xi1>, vector<256x128xf32>
    %jit3A_478 = arith.constant 5.100000e+01 : f32
    %broadcast_in_dim3A_479 = vector.broadcast %jit3A_478 : f32 to vector<256x128xf32>
    %select_n3A_480 = arith.select %lt3A_476, %broadcast_in_dim3A_479, %select_n3A_472 : vector<256x128xi1>, vector<256x128xf32>
    %get3A_481 = arith.constant 6656 : index
    %get3A_482 = arith.constant 0 : index
    %get3A_483 = vector.load %arg7[%get3A_481, %get3A_482] : memref<8192x32xf32, #tpu.memory_space<vmem>>, vector<512x32xf32>
    %dot_general3A_484 = arith.constant dense<0.000000e+00> : vector<256x512xf32>
    %dot_general3A_485 = tpu.matmul %get3A_4, %get3A_483, %dot_general3A_484 {dimension_numbers = #tpu.dot_dimension_numbers<[1], [1], [0], [0], [0, 0, 1, 0], [], []>, transpose_lhs_hint = false} : vector<256x32xf32>, vector<512x32xf32>, vector<256x512xf32> -> vector<256x512xf32>
    %slice3A_486 = vector.extract_strided_slice %dot_general3A_485 {offsets = [0, 0], sizes = [256, 128], strides = [1, 1]} : vector<256x512xf32> to vector<256x128xf32>
    %add3A_487 = vector.broadcast %get3A_9 : vector<256x1xf32> to vector<256x128xf32>
    %add3A_488 = arith.addf %add3A_487, %slice3A_486 : vector<256x128xf32>
    %lt3A_489 = arith.cmpf olt, %add3A_488, %select_n3A_477 : vector<256x128xf32>
    %select_n3A_490 = arith.select %lt3A_489, %add3A_488, %select_n3A_477 : vector<256x128xi1>, vector<256x128xf32>
    %jit3A_491 = arith.constant 5.200000e+01 : f32
    %broadcast_in_dim3A_492 = vector.broadcast %jit3A_491 : f32 to vector<256x128xf32>
    %select_n3A_493 = arith.select %lt3A_489, %broadcast_in_dim3A_492, %select_n3A_480 : vector<256x128xi1>, vector<256x128xf32>
    %slice3A_494 = vector.extract_strided_slice %dot_general3A_485 {offsets = [0, 128], sizes = [256, 128], strides = [1, 1]} : vector<256x512xf32> to vector<256x128xf32>
    %add3A_495 = vector.broadcast %get3A_9 : vector<256x1xf32> to vector<256x128xf32>
    %add3A_496 = arith.addf %add3A_495, %slice3A_494 : vector<256x128xf32>
    %lt3A_497 = arith.cmpf olt, %add3A_496, %select_n3A_490 : vector<256x128xf32>
    %select_n3A_498 = arith.select %lt3A_497, %add3A_496, %select_n3A_490 : vector<256x128xi1>, vector<256x128xf32>
    %jit3A_499 = arith.constant 5.300000e+01 : f32
    %broadcast_in_dim3A_500 = vector.broadcast %jit3A_499 : f32 to vector<256x128xf32>
    %select_n3A_501 = arith.select %lt3A_497, %broadcast_in_dim3A_500, %select_n3A_493 : vector<256x128xi1>, vector<256x128xf32>
    %slice3A_502 = vector.extract_strided_slice %dot_general3A_485 {offsets = [0, 256], sizes = [256, 128], strides = [1, 1]} : vector<256x512xf32> to vector<256x128xf32>
    %add3A_503 = vector.broadcast %get3A_9 : vector<256x1xf32> to vector<256x128xf32>
    %add3A_504 = arith.addf %add3A_503, %slice3A_502 : vector<256x128xf32>
    %lt3A_505 = arith.cmpf olt, %add3A_504, %select_n3A_498 : vector<256x128xf32>
    %select_n3A_506 = arith.select %lt3A_505, %add3A_504, %select_n3A_498 : vector<256x128xi1>, vector<256x128xf32>
    %jit3A_507 = arith.constant 5.400000e+01 : f32
    %broadcast_in_dim3A_508 = vector.broadcast %jit3A_507 : f32 to vector<256x128xf32>
    %select_n3A_509 = arith.select %lt3A_505, %broadcast_in_dim3A_508, %select_n3A_501 : vector<256x128xi1>, vector<256x128xf32>
    %slice3A_510 = vector.extract_strided_slice %dot_general3A_485 {offsets = [0, 384], sizes = [256, 128], strides = [1, 1]} : vector<256x512xf32> to vector<256x128xf32>
    %add3A_511 = vector.broadcast %get3A_9 : vector<256x1xf32> to vector<256x128xf32>
    %add3A_512 = arith.addf %add3A_511, %slice3A_510 : vector<256x128xf32>
    %lt3A_513 = arith.cmpf olt, %add3A_512, %select_n3A_506 : vector<256x128xf32>
    %select_n3A_514 = arith.select %lt3A_513, %add3A_512, %select_n3A_506 : vector<256x128xi1>, vector<256x128xf32>
    %jit3A_515 = arith.constant 5.500000e+01 : f32
    %broadcast_in_dim3A_516 = vector.broadcast %jit3A_515 : f32 to vector<256x128xf32>
    %select_n3A_517 = arith.select %lt3A_513, %broadcast_in_dim3A_516, %select_n3A_509 : vector<256x128xi1>, vector<256x128xf32>
    %get3A_518 = arith.constant 7168 : index
    %get3A_519 = arith.constant 0 : index
    %get3A_520 = vector.load %arg7[%get3A_518, %get3A_519] : memref<8192x32xf32, #tpu.memory_space<vmem>>, vector<512x32xf32>
    %dot_general3A_521 = arith.constant dense<0.000000e+00> : vector<256x512xf32>
    %dot_general3A_522 = tpu.matmul %get3A_4, %get3A_520, %dot_general3A_521 {dimension_numbers = #tpu.dot_dimension_numbers<[1], [1], [0], [0], [0, 0, 1, 0], [], []>, transpose_lhs_hint = false} : vector<256x32xf32>, vector<512x32xf32>, vector<256x512xf32> -> vector<256x512xf32>
    %slice3A_523 = vector.extract_strided_slice %dot_general3A_522 {offsets = [0, 0], sizes = [256, 128], strides = [1, 1]} : vector<256x512xf32> to vector<256x128xf32>
    %add3A_524 = vector.broadcast %get3A_9 : vector<256x1xf32> to vector<256x128xf32>
    %add3A_525 = arith.addf %add3A_524, %slice3A_523 : vector<256x128xf32>
    %lt3A_526 = arith.cmpf olt, %add3A_525, %select_n3A_514 : vector<256x128xf32>
    %select_n3A_527 = arith.select %lt3A_526, %add3A_525, %select_n3A_514 : vector<256x128xi1>, vector<256x128xf32>
    %jit3A_528 = arith.constant 5.600000e+01 : f32
    %broadcast_in_dim3A_529 = vector.broadcast %jit3A_528 : f32 to vector<256x128xf32>
    %select_n3A_530 = arith.select %lt3A_526, %broadcast_in_dim3A_529, %select_n3A_517 : vector<256x128xi1>, vector<256x128xf32>
    %slice3A_531 = vector.extract_strided_slice %dot_general3A_522 {offsets = [0, 128], sizes = [256, 128], strides = [1, 1]} : vector<256x512xf32> to vector<256x128xf32>
    %add3A_532 = vector.broadcast %get3A_9 : vector<256x1xf32> to vector<256x128xf32>
    %add3A_533 = arith.addf %add3A_532, %slice3A_531 : vector<256x128xf32>
    %lt3A_534 = arith.cmpf olt, %add3A_533, %select_n3A_527 : vector<256x128xf32>
    %select_n3A_535 = arith.select %lt3A_534, %add3A_533, %select_n3A_527 : vector<256x128xi1>, vector<256x128xf32>
    %jit3A_536 = arith.constant 5.700000e+01 : f32
    %broadcast_in_dim3A_537 = vector.broadcast %jit3A_536 : f32 to vector<256x128xf32>
    %select_n3A_538 = arith.select %lt3A_534, %broadcast_in_dim3A_537, %select_n3A_530 : vector<256x128xi1>, vector<256x128xf32>
    %slice3A_539 = vector.extract_strided_slice %dot_general3A_522 {offsets = [0, 256], sizes = [256, 128], strides = [1, 1]} : vector<256x512xf32> to vector<256x128xf32>
    %add3A_540 = vector.broadcast %get3A_9 : vector<256x1xf32> to vector<256x128xf32>
    %add3A_541 = arith.addf %add3A_540, %slice3A_539 : vector<256x128xf32>
    %lt3A_542 = arith.cmpf olt, %add3A_541, %select_n3A_535 : vector<256x128xf32>
    %select_n3A_543 = arith.select %lt3A_542, %add3A_541, %select_n3A_535 : vector<256x128xi1>, vector<256x128xf32>
    %jit3A_544 = arith.constant 5.800000e+01 : f32
    %broadcast_in_dim3A_545 = vector.broadcast %jit3A_544 : f32 to vector<256x128xf32>
    %select_n3A_546 = arith.select %lt3A_542, %broadcast_in_dim3A_545, %select_n3A_538 : vector<256x128xi1>, vector<256x128xf32>
    %slice3A_547 = vector.extract_strided_slice %dot_general3A_522 {offsets = [0, 384], sizes = [256, 128], strides = [1, 1]} : vector<256x512xf32> to vector<256x128xf32>
    %add3A_548 = vector.broadcast %get3A_9 : vector<256x1xf32> to vector<256x128xf32>
    %add3A_549 = arith.addf %add3A_548, %slice3A_547 : vector<256x128xf32>
    %lt3A_550 = arith.cmpf olt, %add3A_549, %select_n3A_543 : vector<256x128xf32>
    %select_n3A_551 = arith.select %lt3A_550, %add3A_549, %select_n3A_543 : vector<256x128xi1>, vector<256x128xf32>
    %jit3A_552 = arith.constant 5.900000e+01 : f32
    %broadcast_in_dim3A_553 = vector.broadcast %jit3A_552 : f32 to vector<256x128xf32>
    %select_n3A_554 = arith.select %lt3A_550, %broadcast_in_dim3A_553, %select_n3A_546 : vector<256x128xi1>, vector<256x128xf32>
    %get3A_555 = arith.constant 7680 : index
    %get3A_556 = arith.constant 0 : index
    %get3A_557 = vector.load %arg7[%get3A_555, %get3A_556] : memref<8192x32xf32, #tpu.memory_space<vmem>>, vector<512x32xf32>
    %dot_general3A_558 = arith.constant dense<0.000000e+00> : vector<256x512xf32>
    %dot_general3A_559 = tpu.matmul %get3A_4, %get3A_557, %dot_general3A_558 {dimension_numbers = #tpu.dot_dimension_numbers<[1], [1], [0], [0], [0, 0, 1, 0], [], []>, transpose_lhs_hint = false} : vector<256x32xf32>, vector<512x32xf32>, vector<256x512xf32> -> vector<256x512xf32>
    %slice3A_560 = vector.extract_strided_slice %dot_general3A_559 {offsets = [0, 0], sizes = [256, 128], strides = [1, 1]} : vector<256x512xf32> to vector<256x128xf32>
    %add3A_561 = vector.broadcast %get3A_9 : vector<256x1xf32> to vector<256x128xf32>
    %add3A_562 = arith.addf %add3A_561, %slice3A_560 : vector<256x128xf32>
    %lt3A_563 = arith.cmpf olt, %add3A_562, %select_n3A_551 : vector<256x128xf32>
    %select_n3A_564 = arith.select %lt3A_563, %add3A_562, %select_n3A_551 : vector<256x128xi1>, vector<256x128xf32>
    %jit3A_565 = arith.constant 6.000000e+01 : f32
    %broadcast_in_dim3A_566 = vector.broadcast %jit3A_565 : f32 to vector<256x128xf32>
    %select_n3A_567 = arith.select %lt3A_563, %broadcast_in_dim3A_566, %select_n3A_554 : vector<256x128xi1>, vector<256x128xf32>
    %slice3A_568 = vector.extract_strided_slice %dot_general3A_559 {offsets = [0, 128], sizes = [256, 128], strides = [1, 1]} : vector<256x512xf32> to vector<256x128xf32>
    %add3A_569 = vector.broadcast %get3A_9 : vector<256x1xf32> to vector<256x128xf32>
    %add3A_570 = arith.addf %add3A_569, %slice3A_568 : vector<256x128xf32>
    %lt3A_571 = arith.cmpf olt, %add3A_570, %select_n3A_564 : vector<256x128xf32>
    %select_n3A_572 = arith.select %lt3A_571, %add3A_570, %select_n3A_564 : vector<256x128xi1>, vector<256x128xf32>
    %jit3A_573 = arith.constant 6.100000e+01 : f32
    %broadcast_in_dim3A_574 = vector.broadcast %jit3A_573 : f32 to vector<256x128xf32>
    %select_n3A_575 = arith.select %lt3A_571, %broadcast_in_dim3A_574, %select_n3A_567 : vector<256x128xi1>, vector<256x128xf32>
    %slice3A_576 = vector.extract_strided_slice %dot_general3A_559 {offsets = [0, 256], sizes = [256, 128], strides = [1, 1]} : vector<256x512xf32> to vector<256x128xf32>
    %add3A_577 = vector.broadcast %get3A_9 : vector<256x1xf32> to vector<256x128xf32>
    %add3A_578 = arith.addf %add3A_577, %slice3A_576 : vector<256x128xf32>
    %lt3A_579 = arith.cmpf olt, %add3A_578, %select_n3A_572 : vector<256x128xf32>
    %select_n3A_580 = arith.select %lt3A_579, %add3A_578, %select_n3A_572 : vector<256x128xi1>, vector<256x128xf32>
    %jit3A_581 = arith.constant 6.200000e+01 : f32
    %broadcast_in_dim3A_582 = vector.broadcast %jit3A_581 : f32 to vector<256x128xf32>
    %select_n3A_583 = arith.select %lt3A_579, %broadcast_in_dim3A_582, %select_n3A_575 : vector<256x128xi1>, vector<256x128xf32>
    %slice3A_584 = vector.extract_strided_slice %dot_general3A_559 {offsets = [0, 384], sizes = [256, 128], strides = [1, 1]} : vector<256x512xf32> to vector<256x128xf32>
    %add3A_585 = vector.broadcast %get3A_9 : vector<256x1xf32> to vector<256x128xf32>
    %add3A_586 = arith.addf %add3A_585, %slice3A_584 : vector<256x128xf32>
    %lt3A_587 = arith.cmpf olt, %add3A_586, %select_n3A_580 : vector<256x128xf32>
    %select_n3A_588 = arith.select %lt3A_587, %add3A_586, %select_n3A_580 : vector<256x128xi1>, vector<256x128xf32>
    %jit3A_589 = arith.constant 6.300000e+01 : f32
    %broadcast_in_dim3A_590 = vector.broadcast %jit3A_589 : f32 to vector<256x128xf32>
    %select_n3A_591 = arith.select %lt3A_587, %broadcast_in_dim3A_590, %select_n3A_583 : vector<256x128xi1>, vector<256x128xf32>
    %reduce_min3A = arith.constant dense<0x7F800000> : vector<256xf32>
    %reduce_min3A_592 = vector.multi_reduction <minimumf>, %select_n3A_588, %reduce_min3A [1] : vector<256x128xf32> to vector<256xf32>
    %broadcast_in_dim3A_593 = vector.shape_cast %reduce_min3A_592 : vector<256xf32> to vector<256x1xf32>
    %iota3A = tpu.iota {dimensions = array<i32: 1>} : vector<1x128xi32>
    %convert_element_type3A_594 = arith.sitofp %iota3A : vector<1x128xi32> to vector<1x128xf32>
    %mul3A_595 = arith.constant 1.280000e+02 : f32
    %mul3A_596 = vector.broadcast %mul3A_595 : f32 to vector<256x128xf32>
    %mul3A_597 = arith.mulf %select_n3A_591, %mul3A_596 : vector<256x128xf32>
    %add3A_598 = vector.broadcast %convert_element_type3A_594 : vector<1x128xf32> to vector<256x128xf32>
    %add3A_599 = arith.addf %mul3A_597, %add3A_598 : vector<256x128xf32>
    %eq3A_600 = vector.broadcast %broadcast_in_dim3A_593 : vector<256x1xf32> to vector<256x128xf32>
    %eq3A_601 = arith.cmpf oeq, %select_n3A_588, %eq3A_600 : vector<256x128xf32>
    %jit3A_602 = arith.constant 1.638400e+04 : f32
    %broadcast_in_dim3A_603 = vector.broadcast %jit3A_602 : f32 to vector<256x128xf32>
    %select_n3A_604 = arith.select %eq3A_601, %add3A_599, %broadcast_in_dim3A_603 : vector<256x128xi1>, vector<256x128xf32>
    %reduce_min3A_605 = arith.constant dense<0x7F800000> : vector<256xf32>
    %reduce_min3A_606 = vector.multi_reduction <minimumf>, %select_n3A_604, %reduce_min3A_605 [1] : vector<256x128xf32> to vector<256xf32>
    %broadcast_in_dim3A_607 = vector.shape_cast %reduce_min3A_606 : vector<256xf32> to vector<256x1xf32>
    %convert_element_type3A_608 = arith.fptosi %broadcast_in_dim3A_607 : vector<256x1xf32> to vector<256x1xi32>
    %transpose3A = tpu.transpose %convert_element_type3A_608, [1, 0] : vector<256x1xi32> -> vector<1x256xi32>
    %reshape3A = vector.shape_cast %transpose3A : vector<1x256xi32> to vector<1x1x256xi32>
    %swap3A = arith.constant 0 : index
    %swap3A_609 = arith.constant 0 : index
    %swap3A_610 = arith.constant 0 : index
    %swap3A_611 = vector.load %arg5[%swap3A, %swap3A_609, %swap3A_610] : memref<1x1x256xi32, #tpu.memory_space<vmem>>, vector<1x1x256xi32>
    tpu.vector_store %arg5[%swap3A, %swap3A_609, %swap3A_610], %reshape3A {strides = array<i32>} : memref<1x1x256xi32, #tpu.memory_space<vmem>>, vector<1x1x256xi32>,
    %get3A_612 = arith.constant 0 : index
    %get3A_613 = arith.constant 0 : index
    %get3A_614 = vector.load %arg6[%get3A_612, %get3A_613] : memref<1x1xf32, #tpu.memory_space<vmem>>, vector<1x1xf32>
    %reduce_sum3A = vector.shape_cast %broadcast_in_dim3A_593 : vector<256x1xf32> to vector<1x256x1xf32>
    %reduce_sum3A_615 = arith.constant dense<0.000000e+00> : vector<1xf32>
    %reduce_sum3A_616 = vector.multi_reduction <add>, %reduce_sum3A, %reduce_sum3A_615 [1, 2] : vector<1x256x1xf32> to vector<1xf32>
    %reduce_sum3A_617 = vector.shape_cast %reduce_sum3A_616 : vector<1xf32> to vector<1x1x1xf32>
    %reduce_sum3A_618 = vector.extract %reduce_sum3A_617[0, 0, 0] : f32 from vector<1x1x1xf32>
    %add3A_619 = vector.broadcast %reduce_sum3A_618 : f32 to vector<1x1xf32>
    %add3A_620 = arith.addf %get3A_614, %add3A_619 : vector<1x1xf32>
    %swap3A_621 = arith.constant 0 : index
    %swap3A_622 = arith.constant 0 : index
    %swap3A_623 = vector.load %arg6[%swap3A_621, %swap3A_622] : memref<1x1xf32, #tpu.memory_space<vmem>>, vector<1x1xf32>
    tpu.vector_store %arg6[%swap3A_621, %swap3A_622], %add3A_620 {strides = array<i32>} : memref<1x1xf32, #tpu.memory_space<vmem>>, vector<1x1xf32>,
    return
  }
  func.func @transform_0(%arg0: i32) -> (i32, i32, i32) {
    %c0_i32 = arith.constant 0 : i32
    %c0_i32_0 = arith.constant 0 : i32
    %c0_i32_1 = arith.constant 0 : i32
    %c0_i32_2 = arith.constant 0 : i32
    return %c0_i32, %c0_i32_0, %c0_i32_1 : i32, i32, i32
  }
  func.func @transform_1(%arg0: i32) -> (i32, i32) {
    %c0_i32 = arith.constant 0 : i32
    %c0_i32_0 = arith.constant 0 : i32
    %c0_i32_1 = arith.constant 0 : i32
    return %c0_i32, %c0_i32_0 : i32, i32
  }
  func.func @transform_2(%arg0: i32) -> (i32, i32) {
    %c0_i32 = arith.constant 0 : i32
    %c0_i32_0 = arith.constant 0 : i32
    %c0_i32_1 = arith.constant 0 : i32
    return %c0_i32, %c0_i32_0 : i32, i32
  }
  func.func @transform_3(%arg0: i32) -> (i32, i32) {
    %c0_i32 = arith.constant 0 : i32
    %c0_i32_0 = arith.constant 0 : i32
    %c0_i32_1 = arith.constant 0 : i32
    return %c0_i32, %c0_i32_0 : i32, i32
  }
  func.func @transform_4(%arg0: i32) -> (i32, i32, i32) {
    %c0_i32 = arith.constant 0 : i32
    %c0_i32_0 = arith.constant 0 : i32
    %c0_i32_1 = arith.constant 0 : i32
    return %arg0, %c0_i32, %c0_i32_0 : i32, i32, i32
  }
  func.func @transform_5(%arg0: i32) -> (i32, i32) {
    %c0_i32 = arith.constant 0 : i32
    %c0_i32_0 = arith.constant 0 : i32
    %c0_i32_1 = arith.constant 0 : i32
    return %c0_i32, %c0_i32_0 : i32, i32
  }
}

</mosaic_0001>

<sc_bundles>
// kernel: kernel.4.cloned.1.call-start
scs
__scs_entry_jumppad:
0x0: {  	(pc) =	sbr.rel $0x88, $3  }
0x1: {  	(tag) =	ssettag $0x0;
	lr =	simm.s32 $0x1  }
0x2: {  	[smem:$0x3F9D] =	sst lr;
	_ =	strace $0xD0000000  }
0x3: {  	_ = 	snop  }
0x4: {  	_ = 	snop  }
0x5: {  	_ = 	snop  }
0x6: {  	_ = 	snop  }
0x7: {  	_ = 	snop  }
__scs_overlays_trampoline_lowered:
0x8: {  	[smem:$0x3FAC] =	sst s0  }
0x9: {  	[smem:$0x3FAD] =	sst s1  }
0xa: {  	[smem:$0x3FAE] =	sst s2  }
0xb: {  	[smem:$0x3FAF] =	sst s3  }
0xc: {  	[smem:$0x3FB0] =	sst s4  }
0xd: {  	[smem:$0x3FB1] =	sst s5  }
0xe: {  	[smem:$0x3FB2] =	sst s6  }
0xf: {  	[smem:$0x3FB3] =	sst s7  }
0x10: {  	[smem:$0x3FB4] =	sst s8  }
0x11: {  	[smem:$0x3FB5] =	sst s9;
	s0 =	simm.s32 @!p0 $0x0  }
0x12: {  	s1 =	sld [smem:$0x3F9B];
	s0 =	simm.s32 @p0 $0x1  }
0x13: {  	[smem:$0x3FB6] =	sst s0;
	s0 =	simm.s32 @!p1 $0x0  }
0x14: {  	s2 =	sld [smem:$0x3F9A];
	s0 =	simm.s32 @p1 $0x1  }
0x15: {  	[smem:$0x3FB7] =	sst s0;
	s0 =	simm.s32 @!p2 $0x0  }
0x16: {  	s3 =	sld [smem:$0x3FDB];
	s0 =	simm.s32 @p2 $0x1  }
0x17: {  	s4 =	simm.s32 $0x1BF5;
	[smem:$0x3FB9] =	sst s0  }
0x18: {  	s0 =	sld [smem:$0x3F9C];
	_ =	swait.ge [sflag:s4], $0x0  }
0x19: {  	s7 =	sld [smem:$0x3F9D]  }
0x1a: {  	s8 =	sadd.s32 $0xFFFFE003, lr  }
0x1b: {  	s9 =	sadd.s32 $0xFFFFFEF7, lr;
	s5 =	simm.s32 $0xFFFFFFFF;
	p2 =	slt.u32 s8, $0xFFFFF086  }
0x1c: {  	p1 =	slt.u32 s9, $0xF7A;
	s5 =	simm.s32 @!p2 $0x0  }
0x1d: {  	s5 =	simm.s32 @p1 $0x1;
	p0 =	seq.s32 s7, s2  }
0x1e: {  	s7 =	smul.u32 @!p0 $0xF7A, s2;
	p2 =	seq.s32 @!p0 s5, $0x0  }
0x1f: {  	s9 =	smul.u32 $0xF7A, s1;
	s8 =	simm.s32 @!p0 $0x1BF5;
	p2 =	por !p2, p0  }
0x20: {  	[sflag:s8] =	ssyncset.s32 @!p0 $0xFFFFF086;
	s6 =	sadd.s32 @!p0 s3, s7;
	s7 =	simm.s32 @!p0 $0x108  }
0x21: {  	s3 =	sadd.s32 s3, s9;
	s6 =	sadd.s32 @!p0 $0x88, s6;
	s7 =	simm.s32 @p2 $0x1082  }
0x22: {  	[simem:s7], [sflag:s8] =	dma.local @!p0 [hbm:s6], $0xF7A  }
0x23: {  	s9 =	sor.u32 $0xD0000000, s2;
	s6 =	simm.s32 $0x108;
	_ =	swait.ge @!p0 [sflag:s8], $0x0  }
0x24: {  	s3 =	sadd.s32 $0x88, s3;
	s6 =	simm.s32 @!p1 $0x1082;
	[sflag:s4] =	ssyncset.s32 $0xFFFFF086  }
0x25: {  	[simem:s6], [sflag:s4] =	dma.local [hbm:s3], $0xF7A  }
0x26: {  	[smem:$0x3F9D] =	sst s1;
	(tag) =	ssettag s2;
	_ =	strace s9  }
0x27: {  	s1 =	sld [smem:$0x3FAD]  }
0x28: {  	s2 =	sld [smem:$0x3FAE]  }
0x29: {  	s4 =	sld [smem:$0x3FB0]  }
0x2a: {  	p0 =	seq.s32 s5, $0x0;
	s5 =	sld [smem:$0x3FB1]  }
0x2b: {  	s6 =	sld [smem:$0x3FB2]  }
0x2c: {  	s7 =	sld [smem:$0x3FB3]  }
0x2d: {  	s3 =	simm.s32 $0x108;
	s8 =	sld [smem:$0x3FB4]  }
0x2e: {  	s3 =	simm.s32 @!p0 $0x1082;
	s9 =	sld [smem:$0x3FB5]  }
0x2f: {  	lr =	sadd.s32 s0, s3;
	s0 =	sld [smem:$0x3FAC]  }
0x30: {  	s3 =	sld [smem:$0x3FAF]  }
0x31: {  	[smem:$0x3FB8] =	sst s10  }
0x32: {  	s10 =	sld [smem:$0x3FB6];
	_ =	sdelay $0x3  }
0x33: {  	p0 =	seq.s32 s10, $0x1;
	s10 =	sld [smem:$0x3FB8];
	_ =	sdelay $0x3  }
0x34: {  	[smem:$0x3FB8] =	sst s10  }
0x35: {  	s10 =	sld [smem:$0x3FB7];
	_ =	sdelay $0x3  }
0x36: {  	p1 =	seq.s32 s10, $0x1;
	s10 =	sld [smem:$0x3FB8];
	_ =	sdelay $0x3  }
0x37: {  	[smem:$0x3FB8] =	sst s10  }
0x38: {  	s10 =	sld [smem:$0x3FB9]  }
0x39: {  	_ = 	snop;
	(pc) =	sbr.ind lr, $3  }
0x3a: {  	_ = 	snop  }
0x3b: {  	_ = 	snop  }
0x3c: {  	p2 =	seq.s32 s10, $0x1;
	s10 =	sld [smem:$0x3FB8]  }
0x3d: {  	_ =	shalt  }
0x3e: {  	_ =	shalt  }
0x3f: {  	_ =	shalt  }
0x40: {  	_ =	shalt  }
0x41: {  	_ =	shalt  }
0x42: {  	_ =	shalt  }
0x43: {  	_ =	shalt  }
0x44: {  	_ =	shalt  }
0x45: {  	_ =	shalt  }
0x46: {  	_ =	shalt  }
0x47: {  	_ =	shalt  }
0x48: {  	_ =	shalt  }
0x49: {  	_ =	shalt  }
0x4a: {  	_ =	shalt  }
0x4b: {  	_ =	shalt  }
0x4c: {  	_ =	shalt  }
0x4d: {  	_ =	shalt  }
0x4e: {  	_ =	shalt  }
0x4f: {  	_ =	shalt  }
0x50: {  	_ =	shalt  }
0x51: {  	_ =	shalt  }
0x52: {  	_ =	shalt  }
0x53: {  	_ =	shalt  }
0x54: {  	_ =	shalt  }
0x55: {  	_ =	shalt  }
0x56: {  	_ =	shalt  }
0x57: {  	_ =	shalt  }
0x58: {  	_ =	shalt  }
0x59: {  	_ =	shalt  }
0x5a: {  	_ =	shalt  }
0x5b: {  	_ =	shalt  }
0x5c: {  	_ =	shalt  }
0x5d: {  	_ =	shalt  }
0x5e: {  	_ =	shalt  }
0x5f: {  	_ =	shalt  }
0x60: {  	_ =	shalt  }
0x61: {  	_ =	shalt  }
0x62: {  	_ =	shalt  }
0x63: {  	_ =	shalt  }
0x64: {  	_ =	shalt  }
0x65: {  	_ =	shalt  }
0x66: {  	_ =	shalt  }
0x67: {  	_ =	shalt  }
0x68: {  	_ =	shalt  }
0x69: {  	_ =	shalt  }
0x6a: {  	_ =	shalt  }
0x6b: {  	_ =	shalt  }
0x6c: {  	_ =	shalt  }
0x6d: {  	_ =	shalt  }
0x6e: {  	_ =	shalt  }
0x6f: {  	_ =	shalt  }
0x70: {  	_ =	shalt  }
0x71: {  	_ =	shalt  }
0x72: {  	_ =	shalt  }
0x73: {  	_ =	shalt  }
0x74: {  	_ =	shalt  }
0x75: {  	_ =	shalt  }
0x76: {  	_ =	shalt  }
0x77: {  	_ =	shalt  }
0x78: {  	_ =	shalt  }
0x79: {  	_ =	shalt  }
0x7a: {  	_ =	shalt  }
0x7b: {  	_ =	shalt  }
0x7c: {  	_ =	shalt  }
0x7d: {  	_ =	shalt  }
0x7e: {  	_ =	shalt  }
0x7f: {  	_ =	shalt  }
0x80: {  	_ =	shalt  }
0x81: {  	_ =	shalt  }
0x82: {  	_ =	shalt  }
0x83: {  	_ =	shalt  }
0x84: {  	_ =	shalt  }
0x85: {  	_ =	shalt  }
0x86: {  	_ =	shalt  }
0x87: {  	_ =	shalt  }
.Lfunc_end0:
.L_simem_size_0:
called_computation_lowered:
.L_overlay_start_0:
0x88: {  	s2 =	sld [smem:$0x3FD9]  }
0x89: {  	s3 =	sld [smem:$0x3FFE];
	_ =	sdelay $0x1  }
0x8a: {  	s1 =	srdreg.scid  }
0x8b: {  	s0 =	sand.u32 $0x1, s1  }
0x8c: {  	s14 =	sshll.u32 s0, $0xA;
	s2 =	sadd.s32 s3, s2  }
0x8d: {  	s2 =	sadd.s32 s2, s14  }
0x8e: {  	[smem:$0x3FC4] =	sst s2  }
0x8f: {  	_ = 	snop  }
0x90: {  	s2 =	sld [smem:$0x3FD0];
	_ =	sdelay $0x2  }
0x91: {  	s15 =	simm.s32 $0xA;
	s4 =	simm.s32 $0x10  }
0x92: {  	[smem:s4], [sflag:s15] =	dma.local [hbm:s2], $0x1  }
0x93: {  	_ =	swait.eq [sflag:s15], $0x1  }
0x94: {  	[sflag:s15] =	ssyncset.done $0x0  }
0x95: {  	[sflag:s15] =	ssyncadd.s32 $0xFFFFFFFF  }
0x96: {  	s16 =	sld [smem:$0x10];
	(tm) =	ssettm $0x1  }
0x97: {  	s17 =	sld [smem:$0x3FFB];
	_ =	sdelay $0x3  }
0x98: {  	_ =	strace s17  }
0x99: {  	s3 =	sld [smem:$0x3FFC];
	_ =	sdelay $0x3  }
0x9a: {  	_ =	strace s3  }
0x9b: {  	s3 =	sld [smem:$0x3FFD];
	_ =	sdelay $0x3  }
0x9c: {  	_ =	strace s3  }
0x9d: {  	_ =	strace $0x8FFFFFFF  }
0x9e: {  	s18 =	sld [smem:$0x3FDB];
	_ =	sdelay $0x1  }
0x9f: {  	s19 =	simm.s32 $_scs_section_size  }
0xa0: {  	s5 =	simm.s32 $_size__tile_overlayer_lowered;
	s6 =	simm.s32 $_tile_overlayer_lowered  }
0xa1: {  	s22 =	simm.s32 $0x1BFF;
	s21 =	sshll.u32 s6, $0x1;
	s3 =	sadd.s32 s19, s18  }
0xa2: {  	s7 =	simm.s32 $0x0;
	s20 =	sshll.u32 s5, $0x1;
	s5 =	sadd.s32 s21, s3  }
0xa3: {  	[timem:s7], [sflag:s22] =	dma.local [hbm:s5], s20  }
0xa4: {  	_ =	swait.ge [sflag:s22], s20  }
0xa5: {  	s4 =	ssub.s32 $0x0, s20;
	[sflag:s22] =	ssyncset.done $0x0  }
0xa6: {  	[sflag:s22] =	ssyncadd.s32 s4;
	_ =	sdelay $0x1  }
0xa7: {  	s23 =	simm.s32 $0x1B8B  }
0xa8: {  	_ =	swait.ge [sflag:s23], $0x1  }
0xa9: {  	[sflag:s23] =	ssyncset.done $0x0  }
0xaa: {  	s25 =	simm.s32 $0x1B8E;
	s24 =	sld [smem:$0x3FFE];
	[sflag:s23] =	ssyncadd.s32 $0xFFFFFFFF  }
0xab: {  	s26 =	simm.s32 $execute0_lowered;
	[smem:$0x3FD2] =	sst s25  }
0xac: {  	s5 =	sshll.u32 s26, $0x1;
	_ =	strace $0x80000046;
	[dreg:$0x1] =	wrdreg $0xFFFFFFFF  }
0xad: {  	s28 =	simm.s32 $_size_execute0_lowered;
	s3 =	sadd.s32 s3, s5;
	[dreg:$0x0] =	wrdreg $0x0  }
0xae: {  	s5 =	sshll.u32 s28, $0x1;
	[dreg:$0x2] =	wrdreg s3  }
0xaf: {  	[dreg:$0x3] =	wrdreg s5  }
0xb0: {  	[dreg:$0x4] =	wrdreg $0xC0  }
0xb1: {  	_ =	task [dreg:s7], $0x5FFFF  }
0xb2: {  	[dreg:$0x1] =	wrdreg $0xFFFFFFFF  }
0xb3: {  	[dreg:$0x0] =	wrdreg $0x60  }
0xb4: {  	[dreg:$0x2] =	wrdreg s16  }
0xb5: {  	[dreg:$0x3] =	wrdreg s24  }
0xb6: {  	[dreg:$0x4] =	wrdreg $0x9  }
0xb7: {  	_ =	task.clear_ibuf [dreg:s7], $0x5FFFF;
	_ =	strace $0x90000046  }
0xb8: {  	s29 =	simm.s32 $0x9;
	_ =	strace $0x80000048  }
0xb9: {  	_ =	swait.ge [sflag:s29], $0x1  }
0xba: {  	[sflag:s29] =	ssyncadd.s32 $0xFFFFFFFF  }
0xbb: {  	_ =	strace $0x90000048  }
0xbc: {  	_ =	sfence  }
0xbd: {  	s30 =	sld [smem:$0x0];
	_ =	sdelay $0x2  }
0xbe: {  	s31 =	sshll.u32 s1, $0xD;
	s1 =	sshrl.u32 s1, $0x2  }
0xbf: {  	s3 =	sand.u32 $0x4000, s31;
	s1 =	sadd.s32 s1, s30  }
0xc0: {  	s0 =	sor.u32 s3, s0;
	s1 =	sshll.u32 s1, $0x11  }
0xc1: {  	s0 =	sor.u32 s1, s0  }
0xc2: {  	s0 =	sadd.s32 $0x8F2B, s0  }
0xc3: {  	[sflag:s0] =	ssyncadd.remote.s32 $0x1  }
0xc4: {  	_ =	sfence.sel $0xFFFF  }
0xc5: {  	[dreg:$0x0] =	wrdreg $0xFFFFFFFF;
	(pc) =	sbr.abs _section_cstart, $3  }
0xc6: {  	[dreg:$0x1] =	wrdreg $0xFFFFFFFF  }
0xc7: {  	_ =	task.clear_ibuf [dreg:s7], $0x2FFFF;
	_ =	strace $0x9FFFFFFF  }
0xc8: {  	(tm) =	ssettm $0x7FFFFFFF  }
0xc9: {  	_ =	shalt  }
tec
execute0_lowered:
.L_overlay_start_1:
0x0: {  	(tag) =	ssettag $0x1  }
0x1: {  	s1 =	srdreg.scid  }
0x2: {  	s0 =	stileid.u32;
	s6 =	sand.u32 $0x1, s1  }
0x3: {  	s2 =	rddreg [dreg:$0x0];
	s30 =	sshll.u32 s0, $0x9;
	s3 =	sshll.u32 s6, $0x8  }
0x4: {  	s8 =	rddreg [dreg:$0x1];
	s7 =	simm.s32 $0x1;
	s9 =	sor.u32 s3, s30  }
0x5: {  	s1 =	rddreg [dreg:$0x2];
	s3 =	simm.s32 $0x0;
	s4 =	sshrl.u32 s9, $0x3  }
0x6: {  	s10 =	ssub.s32 $0x2, s6;
	[smem:$0x7FF] =	sst s3;
	s4 =	sadd.s32 s4, s8  }
0x7: {  	_ =	strace $0x80000047;
	s5 =	sadd.s32 $0xC00, s4;
	s4 =	simm.s32 $0x2  }
0x8: {  	[tilespmem:s3], [sflag:$0x2] =	stream.linear.gather [hbm4b:s5+s3], $0x100, $0x38;
	[tilespmem:$0x2100] =	vst v63  }
0x9: {  	s6 =	simm.s32 $0x100;
	s11 =	sshrl.u32 s10, $0x1;
	_ =	swait.ge [sflag:s4], $0x100  }
0xa: {  	s9 =	sshll.u32 s9, $0x2;
	s31 =	ssub.s32 s10, s11;
	[sflag:s4] =	ssyncset.done $0x0  }
0xb: {  	s8 =	sadd.s32 s9, s8;
	s9 =	smax.u32 s31, $0x1;
	[sflag:s4] =	ssyncadd.s32 $0xFFFFFF00  }
0xc: {  	[tilespmem:s6], [sflag:$0x1] =	stream.indirect.gather [hbm4b:s2+s6], $0x20, s3, s6, $0xb8;
	[tilespmem:$0x2100] =	vst v63  }
0xd: {  	p0 =	sne.s32 s9, $0x1;
	_ =	swait.ge [sflag:s7], $0x2000  }
.Ltmp0:
0xe: {  	[sflag:s7] =	ssyncset.done $0x0;
	(pc) =	sbr.rel @!p0 .LBB2_2-.Ltmp0, $4  }
0xf: {  	s8 =	sadd.s32 $0x1000, s8;
	[sflag:s7] =	ssyncadd.s32 $0xFFFFE000  }
0x10: {  	[hbm4b:s8+s3] =	stream.linear.scatter [tilespmem:s6], [sflag:$0x2], $0x2000, $0x38;
	[tilespmem:$0x2100] =	vst v63  }
0x11: {  	_ =	swait.ge [sflag:s4], $0x2000  }
0x12: {  	s9 =	sadd.s32 $0xFFFFFFFF, s9;
	[sflag:s4] =	ssyncset.done $0x0  }
.LBB2_1:
0x13: {  	p0 =	sne.s32 s9, $0x1;
	s9 =	sadd.s32 $0xFFFFFFFF, s9;
	[sflag:s4] =	ssyncadd.s32 $0xFFFFE000  }
0x14: {  	[tilespmem:s3], [sflag:$0x2] =	stream.linear.gather [hbm4b:s5+s3], $0x100, $0x38;
	[tilespmem:$0x2100] =	vst v63  }
0x15: {  	_ =	swait.ge [sflag:s4], $0x100  }
0x16: {  	[sflag:s4] =	ssyncset.done $0x0  }
0x17: {  	[sflag:s4] =	ssyncadd.s32 $0xFFFFFF00  }
0x18: {  	[tilespmem:s6], [sflag:$0x1] =	stream.indirect.gather [hbm4b:s2+s6], $0x20, s3, s6, $0xb8;
	[tilespmem:$0x2100] =	vst v63  }
0x19: {  	_ =	swait.ge [sflag:s7], $0x2000  }
.Ltmp1:
0x1a: {  	[sflag:s7] =	ssyncset.done $0x0;
	(pc) =	sbr.rel @p0 .LBB2_1-.Ltmp1, $4  }
0x1b: {  	[sflag:s7] =	ssyncadd.s32 $0xFFFFE000  }
0x1c: {  	[hbm4b:s8+s3] =	stream.linear.scatter [tilespmem:s6], [sflag:$0x2], $0x2000, $0x38;
	[tilespmem:$0x2100] =	vst v63  }
0x1d: {  	_ =	swait.ge [sflag:s4], $0x2000  }
0x1e: {  	[sflag:s4] =	ssyncset.done $0x0  }
.LBB2_2:
0x1f: {  	[sflag:s4] =	ssyncadd.s32 $0xFFFFE000  }
0x20: {  	_ =	sfence.sel $0x180000  }
0x21: {  	[bflag:$0x0] =	sbarrier.arrive $0xFFFF  }
0x22: {  	p0 =	sne.s32 s0, $0x0;
	_ =	strace $0x90000047  }
0x23: {  	s0 =	sadd.s32 @!p0 $0x100000, s1;
	[bflag:$0x2] =	sbarrier.arrive $0xFFFF  }
0x24: {  	[sflag:s0] =	ssyncadd.tile.s32 @!p0 $0x1;
	_ =	shalt  }
.Lfunc_end2:
_tile_overlayer_lowered:
.L_overlay_start_2:
0x25: {  	(tag) =	ssettag $0x2  }
0x26: {  	s0 =	rddreg [dreg:$0x0];
	s2 =	stileid.u32  }
0x27: {  	s1 =	rddreg [dreg:$0x1];
	p0 =	sne.s32 s2, $0x0  }
0x28: {  	s3 =	rddreg [dreg:$0x2];
	[bflag:$0x3] =	sbarrier.arrive $0xFFFF;
	s2 =	simm.s32 @!p0 $0x1C02  }
0x29: {  	[timem:s3], [sflag:s2] =	dma.local @!p0 [hbm:s0], s1  }
0x2a: {  	s0 =	simm.s32 @!p0 $0x2  }
0x2b: {  	_ =	swait.ge @!p0 [sflag:s0], s1  }
0x2c: {  	s1 =	ssub.s32 @!p0 $0x0, s1;
	[sflag:s0] =	ssyncset.done @!p0 $0x0  }
0x2d: {  	[sflag:s0] =	ssyncadd.s32 @!p0 s1  }
0x2e: {  	[bflag:$0x3] =	sbarrier.arrive $0xFFFF  }
0x2f: {  	_ =	shalt  }

</sc_bundles>
